<compile_context>
chip_gen: v7x
topology: tpu7x:2x2x1
jax: 0.10.2.dev20260603
libtpu: 0.0.44.dev20260713+nightly
codegen_flags: <defaults>
</compile_context>

<pallas_src>
import functools

import jax
import jax.numpy as jnp
from jax import lax
from jax.experimental import pallas as pl
from jax.experimental.pallas import tpu as pltpu
from jax.experimental.pallas import tpu_sc as plsc

_L = 16


def _scores_sc(user_ids, item_ids, user_table, item_table):
    B = user_ids.shape[0]
    D = user_table.shape[1]
    info = plsc.get_sparse_core_info()
    nw = info.num_cores * info.num_subcores
    b_per_w = B // nw

    mesh = plsc.VectorSubcoreMesh(core_axis_name="c", subcore_axis_name="s")

    @functools.partial(
        pl.kernel,
        mesh=mesh,
        compiler_params=pltpu.CompilerParams(
            needs_layout_passes=False, use_tc_tiling_on_sc=False),
        out_type=jax.ShapeDtypeStruct((B,), jnp.float32),
        scratch_types=[
            pltpu.VMEM((b_per_w,), jnp.int32),
            pltpu.VMEM((b_per_w,), jnp.int32),
            pltpu.VMEM((b_per_w, D), jnp.float32),
            pltpu.VMEM((b_per_w, D), jnp.float32),
            pltpu.VMEM((_L * _L,), jnp.float32),
            pltpu.VMEM((b_per_w,), jnp.float32),
            pltpu.SemaphoreType.DMA,
            pltpu.SemaphoreType.DMA,
        ],
    )
    def k(uids_hbm, iids_hbm, utab_hbm, itab_hbm, out_hbm,
          uidx_v, iidx_v, urows_v, irows_v, tv, out_v, sem_u, sem_i):
        wid = lax.axis_index("s") * info.num_cores + lax.axis_index("c")
        base = wid * b_per_w
        pltpu.sync_copy(uids_hbm.at[pl.ds(base, b_per_w)], uidx_v)
        pltpu.sync_copy(iids_hbm.at[pl.ds(base, b_per_w)], iidx_v)
        cu = pltpu.async_copy(utab_hbm.at[uidx_v], urows_v, sem_u)
        ci = pltpu.async_copy(itab_hbm.at[iidx_v], irows_v, sem_i)
        cu.wait()
        ci.wait()

        lane = lax.iota(jnp.int32, _L)

        def blk_body(blk, carry):
            row0 = blk * _L
            for rj in range(_L):
                r = row0 + rj
                p = urows_v[r, pl.ds(0, _L)] * irows_v[r, pl.ds(0, _L)]
                for c in range(1, D // _L):
                    p = p + (urows_v[r, pl.ds(c * _L, _L)]
                             * irows_v[r, pl.ds(c * _L, _L)])
                plsc.store_scatter(tv, [lane * _L + rj], p)
            acc = tv[pl.ds(0, _L)]
            for l in range(1, _L):
                acc = acc + tv[pl.ds(l * _L, _L)]
            out_v[pl.ds(row0, _L)] = acc
            return carry

        lax.fori_loop(0, b_per_w // _L, blk_body, 0)
        pltpu.sync_copy(out_v, out_hbm.at[pl.ds(base, b_per_w)])

    return k(user_ids, item_ids, user_table, item_table)


def kernel(user_ids, item_ids, user_table, item_table):
    B = user_ids.shape[0]
    scores = _scores_sc(user_ids.astype(jnp.int32), item_ids.astype(jnp.int32),
                        user_table, item_table)
    return scores.reshape(B, 1)

# --- scband reference (transcript-rebuilt; emitter-appended) ---
"""Pipeline reference for scband-matrix-factorization-47407849013755 (READ-ONLY COPY).

The authoritative reference and input builder live on the scoring server;
editing this copy changes nothing except your own understanding.
"""

import jax, jax.numpy as jnp
import numpy as np

NUM_USERS = 1000000
NUM_ITEMS = 100000
EMBED_DIM = 64
BATCH = 16384

def setup_inputs(seed: int = 0) -> dict:
    key = jax.random.key(seed)
    k1, k2, k3, k4 = jax.random.split(key, 4)
    user_ids = jax.random.randint(k1, (BATCH,), 0, NUM_USERS, dtype=jnp.int64 if jax.config.jax_enable_x64 else jnp.int32)
    item_ids = jax.random.randint(k2, (BATCH,), 0, NUM_ITEMS, dtype=jnp.int64 if jax.config.jax_enable_x64 else jnp.int32)
    user_table = jax.random.normal(k3, (NUM_USERS, EMBED_DIM), dtype=jnp.float32) * 0.01
    item_table = jax.random.normal(k4, (NUM_ITEMS, EMBED_DIM), dtype=jnp.float32) * 0.01
    return {"user_ids": user_ids, "item_ids": item_ids, "user_table": user_table, "item_table": item_table}

def reference(user_ids, item_ids, user_table, item_table):
    user_vecs = jnp.take(user_table, user_ids, axis=0)
    item_vecs = jnp.take(item_table, item_ids, axis=0)
    scores = jnp.sum(user_vecs * item_vecs, axis=1, keepdims=True)
    return scores

if __name__ == "__main__":
    import jax
    _d = setup_inputs()
    print(jax.jit(kernel)(*tuple(_d.values())))

</pallas_src>

<mosaic_0001>
#map = affine_map<(d0, d1) -> (0)>
#map1 = affine_map<(d0, d1) -> (0, 0)>
module attributes {stable_mosaic.version = 14 : i64} {
  func.func @k(%arg0: i32, %arg1: i32, %arg2: memref<16384xi32, #tpu.memory_space<hbm>>, %arg3: memref<16384xi32, #tpu.memory_space<hbm>>, %arg4: memref<1000000x64xf32, #tpu.memory_space<hbm>>, %arg5: memref<100000x64xf32, #tpu.memory_space<hbm>>, %arg6: memref<16384xf32, #tpu.memory_space<hbm>>, %arg7: memref<512xi32, #tpu.memory_space<vmem>>, %arg8: memref<512xi32, #tpu.memory_space<vmem>>, %arg9: memref<512x64xf32, #tpu.memory_space<vmem>>, %arg10: memref<512x64xf32, #tpu.memory_space<vmem>>, %arg11: memref<256xf32, #tpu.memory_space<vmem>>, %arg12: memref<512xf32, #tpu.memory_space<vmem>>, %arg13: memref<!tpu.dma_semaphore, #tpu.memory_space<semaphore_mem>>, %arg14: memref<!tpu.dma_semaphore, #tpu.memory_space<semaphore_mem>>) attributes {dimension_semantics = [#tpu.dimension_semantics<core_parallel>, #tpu.dimension_semantics<subcore_parallel>], iteration_bounds = array<i64: 2, 16>, scalar_prefetch = 0 : i64, scratch_operands = 8 : i64, tpu.core_type = #tpu.core_type<sc_vector_subcore>, window_params = [{transform_indices = #map}, {transform_indices = #map}, {transform_indices = #map1}, {transform_indices = #map1}, {transform_indices = #map}]} {
    %mul3A = arith.constant 2 : i32
    %mul3A_0 = arith.muli %arg1, %mul3A : i32
    %add3A = arith.addi %mul3A_0, %arg0 : i32
    %mul3A_1 = arith.constant 512 : i32
    %mul3A_2 = arith.muli %add3A, %mul3A_1 : i32
    "tpu.region"() ({
      %run_scoped3A = tpu.sem_alloc : memref<!tpu.dma_semaphore, #tpu.memory_space<semaphore_mem>>
      %dma_start3A_18 = tpu.memref_slice %arg2[%mul3A_2] : memref<16384xi32, #tpu.memory_space<hbm>> -> memref<512xi32, #tpu.memory_space<hbm>>
      %dma_start3A_19 = tpu.memref_slice %arg2[%mul3A_2] : memref<16384xi32, #tpu.memory_space<hbm>> -> memref<512xi32, #tpu.memory_space<hbm>>
      tpu.enqueue_dma source(%dma_start3A_19 : memref<512xi32, #tpu.memory_space<hbm>>) target(%arg7 : memref<512xi32, #tpu.memory_space<vmem>>) target_semaphore(%run_scoped3A : memref<!tpu.dma_semaphore, #tpu.memory_space<semaphore_mem>>)
      %dma_wait3A_20 = tpu.memref_slice %arg2[%mul3A_2] : memref<16384xi32, #tpu.memory_space<hbm>> -> memref<512xi32, #tpu.memory_space<hbm>>
      %dma_wait3A_21 = tpu.memref_slice %arg2[%mul3A_2] : memref<16384xi32, #tpu.memory_space<hbm>> -> memref<512xi32, #tpu.memory_space<hbm>>
      tpu.wait_dma2 semaphore(%run_scoped3A : memref<!tpu.dma_semaphore, #tpu.memory_space<semaphore_mem>>) src(%dma_wait3A_21 : memref<512xi32, #tpu.memory_space<hbm>>) dst(%arg7 : memref<512xi32, #tpu.memory_space<vmem>>)
      tpu.yield
    }) : () -> ()
    "tpu.region"() ({
      %run_scoped3A = tpu.sem_alloc : memref<!tpu.dma_semaphore, #tpu.memory_space<semaphore_mem>>
      %dma_start3A_18 = tpu.memref_slice %arg3[%mul3A_2] : memref<16384xi32, #tpu.memory_space<hbm>> -> memref<512xi32, #tpu.memory_space<hbm>>
      %dma_start3A_19 = tpu.memref_slice %arg3[%mul3A_2] : memref<16384xi32, #tpu.memory_space<hbm>> -> memref<512xi32, #tpu.memory_space<hbm>>
      tpu.enqueue_dma source(%dma_start3A_19 : memref<512xi32, #tpu.memory_space<hbm>>) target(%arg8 : memref<512xi32, #tpu.memory_space<vmem>>) target_semaphore(%run_scoped3A : memref<!tpu.dma_semaphore, #tpu.memory_space<semaphore_mem>>)
      %dma_wait3A_20 = tpu.memref_slice %arg3[%mul3A_2] : memref<16384xi32, #tpu.memory_space<hbm>> -> memref<512xi32, #tpu.memory_space<hbm>>
      %dma_wait3A_21 = tpu.memref_slice %arg3[%mul3A_2] : memref<16384xi32, #tpu.memory_space<hbm>> -> memref<512xi32, #tpu.memory_space<hbm>>
      tpu.wait_dma2 semaphore(%run_scoped3A : memref<!tpu.dma_semaphore, #tpu.memory_space<semaphore_mem>>) src(%dma_wait3A_21 : memref<512xi32, #tpu.memory_space<hbm>>) dst(%arg8 : memref<512xi32, #tpu.memory_space<vmem>>)
      tpu.yield
    }) : () -> ()
    %dma_start3A = arith.constant 0 : i32
    %dma_start3A_3 = arith.constant 0 : i32
    %dma_start3A_4 = tpu.memref_slice %arg4[%dma_start3A, %dma_start3A_3] : memref<1000000x64xf32, #tpu.memory_space<hbm>> -> memref<1000000x64xf32, #tpu.memory_space<hbm>>
    tpu.enqueue_indirect_dma source(%dma_start3A_4 : memref<1000000x64xf32, #tpu.memory_space<hbm>>) target(%arg9 : memref<512x64xf32, #tpu.memory_space<vmem>>) offsets(%arg7 : memref<512xi32, #tpu.memory_space<vmem>>) semaphore(%arg13 : memref<!tpu.dma_semaphore, #tpu.memory_space<semaphore_mem>>)
    %dma_start3A_5 = arith.constant 0 : i32
    %dma_start3A_6 = arith.constant 0 : i32
    %dma_start3A_7 = tpu.memref_slice %arg5[%dma_start3A_5, %dma_start3A_6] : memref<100000x64xf32, #tpu.memory_space<hbm>> -> memref<100000x64xf32, #tpu.memory_space<hbm>>
    tpu.enqueue_indirect_dma source(%dma_start3A_7 : memref<100000x64xf32, #tpu.memory_space<hbm>>) target(%arg10 : memref<512x64xf32, #tpu.memory_space<vmem>>) offsets(%arg8 : memref<512xi32, #tpu.memory_space<vmem>>) semaphore(%arg14 : memref<!tpu.dma_semaphore, #tpu.memory_space<semaphore_mem>>)
    %dma_wait3A = arith.constant 0 : i32
    %dma_wait3A_8 = arith.constant 0 : i32
    %dma_wait3A_9 = tpu.memref_slice %arg4[%dma_wait3A, %dma_wait3A_8] : memref<1000000x64xf32, #tpu.memory_space<hbm>> -> memref<1000000x64xf32, #tpu.memory_space<hbm>>
    tpu.wait_indirect_dma semaphore(%arg13 : memref<!tpu.dma_semaphore, #tpu.memory_space<semaphore_mem>>) src(%dma_wait3A_9 : memref<1000000x64xf32, #tpu.memory_space<hbm>>) dst(%arg9 : memref<512x64xf32, #tpu.memory_space<vmem>>)
    %dma_wait3A_10 = arith.constant 0 : i32
    %dma_wait3A_11 = arith.constant 0 : i32
    %dma_wait3A_12 = tpu.memref_slice %arg5[%dma_wait3A_10, %dma_wait3A_11] : memref<100000x64xf32, #tpu.memory_space<hbm>> -> memref<100000x64xf32, #tpu.memory_space<hbm>>
    tpu.wait_indirect_dma semaphore(%arg14 : memref<!tpu.dma_semaphore, #tpu.memory_space<semaphore_mem>>) src(%dma_wait3A_12 : memref<100000x64xf32, #tpu.memory_space<hbm>>) dst(%arg10 : memref<512x64xf32, #tpu.memory_space<vmem>>)
    %iota3A = tpu.iota {dimensions = array<i32: 0>} : vector<16xi32>
    %scan3A = arith.constant 0 : i32
    %scan3A_13 = arith.constant 0 : i32
    %scan3A_14 = arith.constant 32 : i32
    %scan3A_15 = arith.addi %scan3A_13, %scan3A_14 : i32
    %scan3A_16 = arith.constant 1 : i32
    scf.for %scan3A_18 = %scan3A_13 to %scan3A_15 step %scan3A_16  : i32 {
      %mul3A_19 = arith.constant 16 : i32
      %mul3A_20 = arith.muli %scan3A_18, %mul3A_19 : i32
      %add3A_21 = arith.constant 0 : i32
      %add3A_22 = arith.addi %mul3A_20, %add3A_21 : i32
      %get3A = arith.index_cast %add3A_22 : i32 to index
      %get3A_23 = arith.constant 0 : index
      %get3A_24 = tpu.vector_load %arg9[%get3A, %get3A_23] {strides = array<i32>} : memref<512x64xf32, #tpu.memory_space<vmem>>, vector<16xf32>,
      %get3A_25 = arith.index_cast %add3A_22 : i32 to index
      %get3A_26 = arith.constant 0 : index
      %get3A_27 = tpu.vector_load %arg10[%get3A_25, %get3A_26] {strides = array<i32>} : memref<512x64xf32, #tpu.memory_space<vmem>>, vector<16xf32>,
      %mul3A_28 = arith.mulf %get3A_24, %get3A_27 : vector<16xf32>
      %get3A_29 = arith.index_cast %add3A_22 : i32 to index
      %get3A_30 = arith.constant 16 : index
      %get3A_31 = tpu.vector_load %arg9[%get3A_29, %get3A_30] {strides = array<i32>} : memref<512x64xf32, #tpu.memory_space<vmem>>, vector<16xf32>,
      %get3A_32 = arith.index_cast %add3A_22 : i32 to index
      %get3A_33 = arith.constant 16 : index
      %get3A_34 = tpu.vector_load %arg10[%get3A_32, %get3A_33] {strides = array<i32>} : memref<512x64xf32, #tpu.memory_space<vmem>>, vector<16xf32>,
      %mul3A_35 = arith.mulf %get3A_31, %get3A_34 : vector<16xf32>
      %add3A_36 = arith.addf %mul3A_28, %mul3A_35 : vector<16xf32>
      %get3A_37 = arith.index_cast %add3A_22 : i32 to index
      %get3A_38 = arith.constant 32 : index
      %get3A_39 = tpu.vector_load %arg9[%get3A_37, %get3A_38] {strides = array<i32>} : memref<512x64xf32, #tpu.memory_space<vmem>>, vector<16xf32>,
      %get3A_40 = arith.index_cast %add3A_22 : i32 to index
      %get3A_41 = arith.constant 32 : index
      %get3A_42 = tpu.vector_load %arg10[%get3A_40, %get3A_41] {strides = array<i32>} : memref<512x64xf32, #tpu.memory_space<vmem>>, vector<16xf32>,
      %mul3A_43 = arith.mulf %get3A_39, %get3A_42 : vector<16xf32>
      %add3A_44 = arith.addf %add3A_36, %mul3A_43 : vector<16xf32>
      %get3A_45 = arith.index_cast %add3A_22 : i32 to index
      %get3A_46 = arith.constant 48 : index
      %get3A_47 = tpu.vector_load %arg9[%get3A_45, %get3A_46] {strides = array<i32>} : memref<512x64xf32, #tpu.memory_space<vmem>>, vector<16xf32>,
      %get3A_48 = arith.index_cast %add3A_22 : i32 to index
      %get3A_49 = arith.constant 48 : index
      %get3A_50 = tpu.vector_load %arg10[%get3A_48, %get3A_49] {strides = array<i32>} : memref<512x64xf32, #tpu.memory_space<vmem>>, vector<16xf32>,
      %mul3A_51 = arith.mulf %get3A_47, %get3A_50 : vector<16xf32>
      %add3A_52 = arith.addf %add3A_44, %mul3A_51 : vector<16xf32>
      %mul3A_53 = arith.constant 16 : i32
      %mul3A_54 = vector.broadcast %mul3A_53 : i32 to vector<16xi32>
      %mul3A_55 = arith.muli %iota3A, %mul3A_54 : vector<16xi32>
      %add3A_56 = arith.constant 0 : i32
      %add3A_57 = vector.broadcast %add3A_56 : i32 to vector<16xi32>
      %add3A_58 = arith.addi %mul3A_55, %add3A_57 : vector<16xi32>
      tpu.vector_store_idx %arg11[%add3A_58], %add3A_52 : memref<256xf32, #tpu.memory_space<vmem>>[vector<16xi32>], vector<16xf32>,
      %add3A_59 = arith.constant 1 : i32
      %add3A_60 = arith.addi %mul3A_20, %add3A_59 : i32
      %get3A_61 = arith.index_cast %add3A_60 : i32 to index
      %get3A_62 = arith.constant 0 : index
      %get3A_63 = tpu.vector_load %arg9[%get3A_61, %get3A_62] {strides = array<i32>} : memref<512x64xf32, #tpu.memory_space<vmem>>, vector<16xf32>,
      %get3A_64 = arith.index_cast %add3A_60 : i32 to index
      %get3A_65 = arith.constant 0 : index
      %get3A_66 = tpu.vector_load %arg10[%get3A_64, %get3A_65] {strides = array<i32>} : memref<512x64xf32, #tpu.memory_space<vmem>>, vector<16xf32>,
      %mul3A_67 = arith.mulf %get3A_63, %get3A_66 : vector<16xf32>
      %get3A_68 = arith.index_cast %add3A_60 : i32 to index
      %get3A_69 = arith.constant 16 : index
      %get3A_70 = tpu.vector_load %arg9[%get3A_68, %get3A_69] {strides = array<i32>} : memref<512x64xf32, #tpu.memory_space<vmem>>, vector<16xf32>,
      %get3A_71 = arith.index_cast %add3A_60 : i32 to index
      %get3A_72 = arith.constant 16 : index
      %get3A_73 = tpu.vector_load %arg10[%get3A_71, %get3A_72] {strides = array<i32>} : memref<512x64xf32, #tpu.memory_space<vmem>>, vector<16xf32>,
      %mul3A_74 = arith.mulf %get3A_70, %get3A_73 : vector<16xf32>
      %add3A_75 = arith.addf %mul3A_67, %mul3A_74 : vector<16xf32>
      %get3A_76 = arith.index_cast %add3A_60 : i32 to index
      %get3A_77 = arith.constant 32 : index
      %get3A_78 = tpu.vector_load %arg9[%get3A_76, %get3A_77] {strides = array<i32>} : memref<512x64xf32, #tpu.memory_space<vmem>>, vector<16xf32>,
      %get3A_79 = arith.index_cast %add3A_60 : i32 to index
      %get3A_80 = arith.constant 32 : index
      %get3A_81 = tpu.vector_load %arg10[%get3A_79, %get3A_80] {strides = array<i32>} : memref<512x64xf32, #tpu.memory_space<vmem>>, vector<16xf32>,
      %mul3A_82 = arith.mulf %get3A_78, %get3A_81 : vector<16xf32>
      %add3A_83 = arith.addf %add3A_75, %mul3A_82 : vector<16xf32>
      %get3A_84 = arith.index_cast %add3A_60 : i32 to index
      %get3A_85 = arith.constant 48 : index
      %get3A_86 = tpu.vector_load %arg9[%get3A_84, %get3A_85] {strides = array<i32>} : memref<512x64xf32, #tpu.memory_space<vmem>>, vector<16xf32>,
      %get3A_87 = arith.index_cast %add3A_60 : i32 to index
      %get3A_88 = arith.constant 48 : index
      %get3A_89 = tpu.vector_load %arg10[%get3A_87, %get3A_88] {strides = array<i32>} : memref<512x64xf32, #tpu.memory_space<vmem>>, vector<16xf32>,
      %mul3A_90 = arith.mulf %get3A_86, %get3A_89 : vector<16xf32>
      %add3A_91 = arith.addf %add3A_83, %mul3A_90 : vector<16xf32>
      %mul3A_92 = arith.constant 16 : i32
      %mul3A_93 = vector.broadcast %mul3A_92 : i32 to vector<16xi32>
      %mul3A_94 = arith.muli %iota3A, %mul3A_93 : vector<16xi32>
      %add3A_95 = arith.constant 1 : i32
      %add3A_96 = vector.broadcast %add3A_95 : i32 to vector<16xi32>
      %add3A_97 = arith.addi %mul3A_94, %add3A_96 : vector<16xi32>
      tpu.vector_store_idx %arg11[%add3A_97], %add3A_91 : memref<256xf32, #tpu.memory_space<vmem>>[vector<16xi32>], vector<16xf32>,
      %add3A_98 = arith.constant 2 : i32
      %add3A_99 = arith.addi %mul3A_20, %add3A_98 : i32
      %get3A_100 = arith.index_cast %add3A_99 : i32 to index
      %get3A_101 = arith.constant 0 : index
      %get3A_102 = tpu.vector_load %arg9[%get3A_100, %get3A_101] {strides = array<i32>} : memref<512x64xf32, #tpu.memory_space<vmem>>, vector<16xf32>,
      %get3A_103 = arith.index_cast %add3A_99 : i32 to index
      %get3A_104 = arith.constant 0 : index
      %get3A_105 = tpu.vector_load %arg10[%get3A_103, %get3A_104] {strides = array<i32>} : memref<512x64xf32, #tpu.memory_space<vmem>>, vector<16xf32>,
      %mul3A_106 = arith.mulf %get3A_102, %get3A_105 : vector<16xf32>
      %get3A_107 = arith.index_cast %add3A_99 : i32 to index
      %get3A_108 = arith.constant 16 : index
      %get3A_109 = tpu.vector_load %arg9[%get3A_107, %get3A_108] {strides = array<i32>} : memref<512x64xf32, #tpu.memory_space<vmem>>, vector<16xf32>,
      %get3A_110 = arith.index_cast %add3A_99 : i32 to index
      %get3A_111 = arith.constant 16 : index
      %get3A_112 = tpu.vector_load %arg10[%get3A_110, %get3A_111] {strides = array<i32>} : memref<512x64xf32, #tpu.memory_space<vmem>>, vector<16xf32>,
      %mul3A_113 = arith.mulf %get3A_109, %get3A_112 : vector<16xf32>
      %add3A_114 = arith.addf %mul3A_106, %mul3A_113 : vector<16xf32>
      %get3A_115 = arith.index_cast %add3A_99 : i32 to index
      %get3A_116 = arith.constant 32 : index
      %get3A_117 = tpu.vector_load %arg9[%get3A_115, %get3A_116] {strides = array<i32>} : memref<512x64xf32, #tpu.memory_space<vmem>>, vector<16xf32>,
      %get3A_118 = arith.index_cast %add3A_99 : i32 to index
      %get3A_119 = arith.constant 32 : index
      %get3A_120 = tpu.vector_load %arg10[%get3A_118, %get3A_119] {strides = array<i32>} : memref<512x64xf32, #tpu.memory_space<vmem>>, vector<16xf32>,
      %mul3A_121 = arith.mulf %get3A_117, %get3A_120 : vector<16xf32>
      %add3A_122 = arith.addf %add3A_114, %mul3A_121 : vector<16xf32>
      %get3A_123 = arith.index_cast %add3A_99 : i32 to index
      %get3A_124 = arith.constant 48 : index
      %get3A_125 = tpu.vector_load %arg9[%get3A_123, %get3A_124] {strides = array<i32>} : memref<512x64xf32, #tpu.memory_space<vmem>>, vector<16xf32>,
      %get3A_126 = arith.index_cast %add3A_99 : i32 to index
      %get3A_127 = arith.constant 48 : index
      %get3A_128 = tpu.vector_load %arg10[%get3A_126, %get3A_127] {strides = array<i32>} : memref<512x64xf32, #tpu.memory_space<vmem>>, vector<16xf32>,
      %mul3A_129 = arith.mulf %get3A_125, %get3A_128 : vector<16xf32>
      %add3A_130 = arith.addf %add3A_122, %mul3A_129 : vector<16xf32>
      %mul3A_131 = arith.constant 16 : i32
      %mul3A_132 = vector.broadcast %mul3A_131 : i32 to vector<16xi32>
      %mul3A_133 = arith.muli %iota3A, %mul3A_132 : vector<16xi32>
      %add3A_134 = arith.constant 2 : i32
      %add3A_135 = vector.broadcast %add3A_134 : i32 to vector<16xi32>
      %add3A_136 = arith.addi %mul3A_133, %add3A_135 : vector<16xi32>
      tpu.vector_store_idx %arg11[%add3A_136], %add3A_130 : memref<256xf32, #tpu.memory_space<vmem>>[vector<16xi32>], vector<16xf32>,
      %add3A_137 = arith.constant 3 : i32
      %add3A_138 = arith.addi %mul3A_20, %add3A_137 : i32
      %get3A_139 = arith.index_cast %add3A_138 : i32 to index
      %get3A_140 = arith.constant 0 : index
      %get3A_141 = tpu.vector_load %arg9[%get3A_139, %get3A_140] {strides = array<i32>} : memref<512x64xf32, #tpu.memory_space<vmem>>, vector<16xf32>,
      %get3A_142 = arith.index_cast %add3A_138 : i32 to index
      %get3A_143 = arith.constant 0 : index
      %get3A_144 = tpu.vector_load %arg10[%get3A_142, %get3A_143] {strides = array<i32>} : memref<512x64xf32, #tpu.memory_space<vmem>>, vector<16xf32>,
      %mul3A_145 = arith.mulf %get3A_141, %get3A_144 : vector<16xf32>
      %get3A_146 = arith.index_cast %add3A_138 : i32 to index
      %get3A_147 = arith.constant 16 : index
      %get3A_148 = tpu.vector_load %arg9[%get3A_146, %get3A_147] {strides = array<i32>} : memref<512x64xf32, #tpu.memory_space<vmem>>, vector<16xf32>,
      %get3A_149 = arith.index_cast %add3A_138 : i32 to index
      %get3A_150 = arith.constant 16 : index
      %get3A_151 = tpu.vector_load %arg10[%get3A_149, %get3A_150] {strides = array<i32>} : memref<512x64xf32, #tpu.memory_space<vmem>>, vector<16xf32>,
      %mul3A_152 = arith.mulf %get3A_148, %get3A_151 : vector<16xf32>
      %add3A_153 = arith.addf %mul3A_145, %mul3A_152 : vector<16xf32>
      %get3A_154 = arith.index_cast %add3A_138 : i32 to index
      %get3A_155 = arith.constant 32 : index
      %get3A_156 = tpu.vector_load %arg9[%get3A_154, %get3A_155] {strides = array<i32>} : memref<512x64xf32, #tpu.memory_space<vmem>>, vector<16xf32>,
      %get3A_157 = arith.index_cast %add3A_138 : i32 to index
      %get3A_158 = arith.constant 32 : index
      %get3A_159 = tpu.vector_load %arg10[%get3A_157, %get3A_158] {strides = array<i32>} : memref<512x64xf32, #tpu.memory_space<vmem>>, vector<16xf32>,
      %mul3A_160 = arith.mulf %get3A_156, %get3A_159 : vector<16xf32>
      %add3A_161 = arith.addf %add3A_153, %mul3A_160 : vector<16xf32>
      %get3A_162 = arith.index_cast %add3A_138 : i32 to index
      %get3A_163 = arith.constant 48 : index
      %get3A_164 = tpu.vector_load %arg9[%get3A_162, %get3A_163] {strides = array<i32>} : memref<512x64xf32, #tpu.memory_space<vmem>>, vector<16xf32>,
      %get3A_165 = arith.index_cast %add3A_138 : i32 to index
      %get3A_166 = arith.constant 48 : index
      %get3A_167 = tpu.vector_load %arg10[%get3A_165, %get3A_166] {strides = array<i32>} : memref<512x64xf32, #tpu.memory_space<vmem>>, vector<16xf32>,
      %mul3A_168 = arith.mulf %get3A_164, %get3A_167 : vector<16xf32>
      %add3A_169 = arith.addf %add3A_161, %mul3A_168 : vector<16xf32>
      %mul3A_170 = arith.constant 16 : i32
      %mul3A_171 = vector.broadcast %mul3A_170 : i32 to vector<16xi32>
      %mul3A_172 = arith.muli %iota3A, %mul3A_171 : vector<16xi32>
      %add3A_173 = arith.constant 3 : i32
      %add3A_174 = vector.broadcast %add3A_173 : i32 to vector<16xi32>
      %add3A_175 = arith.addi %mul3A_172, %add3A_174 : vector<16xi32>
      tpu.vector_store_idx %arg11[%add3A_175], %add3A_169 : memref<256xf32, #tpu.memory_space<vmem>>[vector<16xi32>], vector<16xf32>,
      %add3A_176 = arith.constant 4 : i32
      %add3A_177 = arith.addi %mul3A_20, %add3A_176 : i32
      %get3A_178 = arith.index_cast %add3A_177 : i32 to index
      %get3A_179 = arith.constant 0 : index
      %get3A_180 = tpu.vector_load %arg9[%get3A_178, %get3A_179] {strides = array<i32>} : memref<512x64xf32, #tpu.memory_space<vmem>>, vector<16xf32>,
      %get3A_181 = arith.index_cast %add3A_177 : i32 to index
      %get3A_182 = arith.constant 0 : index
      %get3A_183 = tpu.vector_load %arg10[%get3A_181, %get3A_182] {strides = array<i32>} : memref<512x64xf32, #tpu.memory_space<vmem>>, vector<16xf32>,
      %mul3A_184 = arith.mulf %get3A_180, %get3A_183 : vector<16xf32>
      %get3A_185 = arith.index_cast %add3A_177 : i32 to index
      %get3A_186 = arith.constant 16 : index
      %get3A_187 = tpu.vector_load %arg9[%get3A_185, %get3A_186] {strides = array<i32>} : memref<512x64xf32, #tpu.memory_space<vmem>>, vector<16xf32>,
      %get3A_188 = arith.index_cast %add3A_177 : i32 to index
      %get3A_189 = arith.constant 16 : index
      %get3A_190 = tpu.vector_load %arg10[%get3A_188, %get3A_189] {strides = array<i32>} : memref<512x64xf32, #tpu.memory_space<vmem>>, vector<16xf32>,
      %mul3A_191 = arith.mulf %get3A_187, %get3A_190 : vector<16xf32>
      %add3A_192 = arith.addf %mul3A_184, %mul3A_191 : vector<16xf32>
      %get3A_193 = arith.index_cast %add3A_177 : i32 to index
      %get3A_194 = arith.constant 32 : index
      %get3A_195 = tpu.vector_load %arg9[%get3A_193, %get3A_194] {strides = array<i32>} : memref<512x64xf32, #tpu.memory_space<vmem>>, vector<16xf32>,
      %get3A_196 = arith.index_cast %add3A_177 : i32 to index
      %get3A_197 = arith.constant 32 : index
      %get3A_198 = tpu.vector_load %arg10[%get3A_196, %get3A_197] {strides = array<i32>} : memref<512x64xf32, #tpu.memory_space<vmem>>, vector<16xf32>,
      %mul3A_199 = arith.mulf %get3A_195, %get3A_198 : vector<16xf32>
      %add3A_200 = arith.addf %add3A_192, %mul3A_199 : vector<16xf32>
      %get3A_201 = arith.index_cast %add3A_177 : i32 to index
      %get3A_202 = arith.constant 48 : index
      %get3A_203 = tpu.vector_load %arg9[%get3A_201, %get3A_202] {strides = array<i32>} : memref<512x64xf32, #tpu.memory_space<vmem>>, vector<16xf32>,
      %get3A_204 = arith.index_cast %add3A_177 : i32 to index
      %get3A_205 = arith.constant 48 : index
      %get3A_206 = tpu.vector_load %arg10[%get3A_204, %get3A_205] {strides = array<i32>} : memref<512x64xf32, #tpu.memory_space<vmem>>, vector<16xf32>,
      %mul3A_207 = arith.mulf %get3A_203, %get3A_206 : vector<16xf32>
      %add3A_208 = arith.addf %add3A_200, %mul3A_207 : vector<16xf32>
      %mul3A_209 = arith.constant 16 : i32
      %mul3A_210 = vector.broadcast %mul3A_209 : i32 to vector<16xi32>
      %mul3A_211 = arith.muli %iota3A, %mul3A_210 : vector<16xi32>
      %add3A_212 = arith.constant 4 : i32
      %add3A_213 = vector.broadcast %add3A_212 : i32 to vector<16xi32>
      %add3A_214 = arith.addi %mul3A_211, %add3A_213 : vector<16xi32>
      tpu.vector_store_idx %arg11[%add3A_214], %add3A_208 : memref<256xf32, #tpu.memory_space<vmem>>[vector<16xi32>], vector<16xf32>,
      %add3A_215 = arith.constant 5 : i32
      %add3A_216 = arith.addi %mul3A_20, %add3A_215 : i32
      %get3A_217 = arith.index_cast %add3A_216 : i32 to index
      %get3A_218 = arith.constant 0 : index
      %get3A_219 = tpu.vector_load %arg9[%get3A_217, %get3A_218] {strides = array<i32>} : memref<512x64xf32, #tpu.memory_space<vmem>>, vector<16xf32>,
      %get3A_220 = arith.index_cast %add3A_216 : i32 to index
      %get3A_221 = arith.constant 0 : index
      %get3A_222 = tpu.vector_load %arg10[%get3A_220, %get3A_221] {strides = array<i32>} : memref<512x64xf32, #tpu.memory_space<vmem>>, vector<16xf32>,
      %mul3A_223 = arith.mulf %get3A_219, %get3A_222 : vector<16xf32>
      %get3A_224 = arith.index_cast %add3A_216 : i32 to index
      %get3A_225 = arith.constant 16 : index
      %get3A_226 = tpu.vector_load %arg9[%get3A_224, %get3A_225] {strides = array<i32>} : memref<512x64xf32, #tpu.memory_space<vmem>>, vector<16xf32>,
      %get3A_227 = arith.index_cast %add3A_216 : i32 to index
      %get3A_228 = arith.constant 16 : index
      %get3A_229 = tpu.vector_load %arg10[%get3A_227, %get3A_228] {strides = array<i32>} : memref<512x64xf32, #tpu.memory_space<vmem>>, vector<16xf32>,
      %mul3A_230 = arith.mulf %get3A_226, %get3A_229 : vector<16xf32>
      %add3A_231 = arith.addf %mul3A_223, %mul3A_230 : vector<16xf32>
      %get3A_232 = arith.index_cast %add3A_216 : i32 to index
      %get3A_233 = arith.constant 32 : index
      %get3A_234 = tpu.vector_load %arg9[%get3A_232, %get3A_233] {strides = array<i32>} : memref<512x64xf32, #tpu.memory_space<vmem>>, vector<16xf32>,
      %get3A_235 = arith.index_cast %add3A_216 : i32 to index
      %get3A_236 = arith.constant 32 : index
      %get3A_237 = tpu.vector_load %arg10[%get3A_235, %get3A_236] {strides = array<i32>} : memref<512x64xf32, #tpu.memory_space<vmem>>, vector<16xf32>,
      %mul3A_238 = arith.mulf %get3A_234, %get3A_237 : vector<16xf32>
      %add3A_239 = arith.addf %add3A_231, %mul3A_238 : vector<16xf32>
      %get3A_240 = arith.index_cast %add3A_216 : i32 to index
      %get3A_241 = arith.constant 48 : index
      %get3A_242 = tpu.vector_load %arg9[%get3A_240, %get3A_241] {strides = array<i32>} : memref<512x64xf32, #tpu.memory_space<vmem>>, vector<16xf32>,
      %get3A_243 = arith.index_cast %add3A_216 : i32 to index
      %get3A_244 = arith.constant 48 : index
      %get3A_245 = tpu.vector_load %arg10[%get3A_243, %get3A_244] {strides = array<i32>} : memref<512x64xf32, #tpu.memory_space<vmem>>, vector<16xf32>,
      %mul3A_246 = arith.mulf %get3A_242, %get3A_245 : vector<16xf32>
      %add3A_247 = arith.addf %add3A_239, %mul3A_246 : vector<16xf32>
      %mul3A_248 = arith.constant 16 : i32
      %mul3A_249 = vector.broadcast %mul3A_248 : i32 to vector<16xi32>
      %mul3A_250 = arith.muli %iota3A, %mul3A_249 : vector<16xi32>
      %add3A_251 = arith.constant 5 : i32
      %add3A_252 = vector.broadcast %add3A_251 : i32 to vector<16xi32>
      %add3A_253 = arith.addi %mul3A_250, %add3A_252 : vector<16xi32>
      tpu.vector_store_idx %arg11[%add3A_253], %add3A_247 : memref<256xf32, #tpu.memory_space<vmem>>[vector<16xi32>], vector<16xf32>,
      %add3A_254 = arith.constant 6 : i32
      %add3A_255 = arith.addi %mul3A_20, %add3A_254 : i32
      %get3A_256 = arith.index_cast %add3A_255 : i32 to index
      %get3A_257 = arith.constant 0 : index
      %get3A_258 = tpu.vector_load %arg9[%get3A_256, %get3A_257] {strides = array<i32>} : memref<512x64xf32, #tpu.memory_space<vmem>>, vector<16xf32>,
      %get3A_259 = arith.index_cast %add3A_255 : i32 to index
      %get3A_260 = arith.constant 0 : index
      %get3A_261 = tpu.vector_load %arg10[%get3A_259, %get3A_260] {strides = array<i32>} : memref<512x64xf32, #tpu.memory_space<vmem>>, vector<16xf32>,
      %mul3A_262 = arith.mulf %get3A_258, %get3A_261 : vector<16xf32>
      %get3A_263 = arith.index_cast %add3A_255 : i32 to index
      %get3A_264 = arith.constant 16 : index
      %get3A_265 = tpu.vector_load %arg9[%get3A_263, %get3A_264] {strides = array<i32>} : memref<512x64xf32, #tpu.memory_space<vmem>>, vector<16xf32>,
      %get3A_266 = arith.index_cast %add3A_255 : i32 to index
      %get3A_267 = arith.constant 16 : index
      %get3A_268 = tpu.vector_load %arg10[%get3A_266, %get3A_267] {strides = array<i32>} : memref<512x64xf32, #tpu.memory_space<vmem>>, vector<16xf32>,
      %mul3A_269 = arith.mulf %get3A_265, %get3A_268 : vector<16xf32>
      %add3A_270 = arith.addf %mul3A_262, %mul3A_269 : vector<16xf32>
      %get3A_271 = arith.index_cast %add3A_255 : i32 to index
      %get3A_272 = arith.constant 32 : index
      %get3A_273 = tpu.vector_load %arg9[%get3A_271, %get3A_272] {strides = array<i32>} : memref<512x64xf32, #tpu.memory_space<vmem>>, vector<16xf32>,
      %get3A_274 = arith.index_cast %add3A_255 : i32 to index
      %get3A_275 = arith.constant 32 : index
      %get3A_276 = tpu.vector_load %arg10[%get3A_274, %get3A_275] {strides = array<i32>} : memref<512x64xf32, #tpu.memory_space<vmem>>, vector<16xf32>,
      %mul3A_277 = arith.mulf %get3A_273, %get3A_276 : vector<16xf32>
      %add3A_278 = arith.addf %add3A_270, %mul3A_277 : vector<16xf32>
      %get3A_279 = arith.index_cast %add3A_255 : i32 to index
      %get3A_280 = arith.constant 48 : index
      %get3A_281 = tpu.vector_load %arg9[%get3A_279, %get3A_280] {strides = array<i32>} : memref<512x64xf32, #tpu.memory_space<vmem>>, vector<16xf32>,
      %get3A_282 = arith.index_cast %add3A_255 : i32 to index
      %get3A_283 = arith.constant 48 : index
      %get3A_284 = tpu.vector_load %arg10[%get3A_282, %get3A_283] {strides = array<i32>} : memref<512x64xf32, #tpu.memory_space<vmem>>, vector<16xf32>,
      %mul3A_285 = arith.mulf %get3A_281, %get3A_284 : vector<16xf32>
      %add3A_286 = arith.addf %add3A_278, %mul3A_285 : vector<16xf32>
      %mul3A_287 = arith.constant 16 : i32
      %mul3A_288 = vector.broadcast %mul3A_287 : i32 to vector<16xi32>
      %mul3A_289 = arith.muli %iota3A, %mul3A_288 : vector<16xi32>
      %add3A_290 = arith.constant 6 : i32
      %add3A_291 = vector.broadcast %add3A_290 : i32 to vector<16xi32>
      %add3A_292 = arith.addi %mul3A_289, %add3A_291 : vector<16xi32>
      tpu.vector_store_idx %arg11[%add3A_292], %add3A_286 : memref<256xf32, #tpu.memory_space<vmem>>[vector<16xi32>], vector<16xf32>,
      %add3A_293 = arith.constant 7 : i32
      %add3A_294 = arith.addi %mul3A_20, %add3A_293 : i32
      %get3A_295 = arith.index_cast %add3A_294 : i32 to index
      %get3A_296 = arith.constant 0 : index
      %get3A_297 = tpu.vector_load %arg9[%get3A_295, %get3A_296] {strides = array<i32>} : memref<512x64xf32, #tpu.memory_space<vmem>>, vector<16xf32>,
      %get3A_298 = arith.index_cast %add3A_294 : i32 to index
      %get3A_299 = arith.constant 0 : index
      %get3A_300 = tpu.vector_load %arg10[%get3A_298, %get3A_299] {strides = array<i32>} : memref<512x64xf32, #tpu.memory_space<vmem>>, vector<16xf32>,
      %mul3A_301 = arith.mulf %get3A_297, %get3A_300 : vector<16xf32>
      %get3A_302 = arith.index_cast %add3A_294 : i32 to index
      %get3A_303 = arith.constant 16 : index
      %get3A_304 = tpu.vector_load %arg9[%get3A_302, %get3A_303] {strides = array<i32>} : memref<512x64xf32, #tpu.memory_space<vmem>>, vector<16xf32>,
      %get3A_305 = arith.index_cast %add3A_294 : i32 to index
      %get3A_306 = arith.constant 16 : index
      %get3A_307 = tpu.vector_load %arg10[%get3A_305, %get3A_306] {strides = array<i32>} : memref<512x64xf32, #tpu.memory_space<vmem>>, vector<16xf32>,
      %mul3A_308 = arith.mulf %get3A_304, %get3A_307 : vector<16xf32>
      %add3A_309 = arith.addf %mul3A_301, %mul3A_308 : vector<16xf32>
      %get3A_310 = arith.index_cast %add3A_294 : i32 to index
      %get3A_311 = arith.constant 32 : index
      %get3A_312 = tpu.vector_load %arg9[%get3A_310, %get3A_311] {strides = array<i32>} : memref<512x64xf32, #tpu.memory_space<vmem>>, vector<16xf32>,
      %get3A_313 = arith.index_cast %add3A_294 : i32 to index
      %get3A_314 = arith.constant 32 : index
      %get3A_315 = tpu.vector_load %arg10[%get3A_313, %get3A_314] {strides = array<i32>} : memref<512x64xf32, #tpu.memory_space<vmem>>, vector<16xf32>,
      %mul3A_316 = arith.mulf %get3A_312, %get3A_315 : vector<16xf32>
      %add3A_317 = arith.addf %add3A_309, %mul3A_316 : vector<16xf32>
      %get3A_318 = arith.index_cast %add3A_294 : i32 to index
      %get3A_319 = arith.constant 48 : index
      %get3A_320 = tpu.vector_load %arg9[%get3A_318, %get3A_319] {strides = array<i32>} : memref<512x64xf32, #tpu.memory_space<vmem>>, vector<16xf32>,
      %get3A_321 = arith.index_cast %add3A_294 : i32 to index
      %get3A_322 = arith.constant 48 : index
      %get3A_323 = tpu.vector_load %arg10[%get3A_321, %get3A_322] {strides = array<i32>} : memref<512x64xf32, #tpu.memory_space<vmem>>, vector<16xf32>,
      %mul3A_324 = arith.mulf %get3A_320, %get3A_323 : vector<16xf32>
      %add3A_325 = arith.addf %add3A_317, %mul3A_324 : vector<16xf32>
      %mul3A_326 = arith.constant 16 : i32
      %mul3A_327 = vector.broadcast %mul3A_326 : i32 to vector<16xi32>
      %mul3A_328 = arith.muli %iota3A, %mul3A_327 : vector<16xi32>
      %add3A_329 = arith.constant 7 : i32
      %add3A_330 = vector.broadcast %add3A_329 : i32 to vector<16xi32>
      %add3A_331 = arith.addi %mul3A_328, %add3A_330 : vector<16xi32>
      tpu.vector_store_idx %arg11[%add3A_331], %add3A_325 : memref<256xf32, #tpu.memory_space<vmem>>[vector<16xi32>], vector<16xf32>,
      %add3A_332 = arith.constant 8 : i32
      %add3A_333 = arith.addi %mul3A_20, %add3A_332 : i32
      %get3A_334 = arith.index_cast %add3A_333 : i32 to index
      %get3A_335 = arith.constant 0 : index
      %get3A_336 = tpu.vector_load %arg9[%get3A_334, %get3A_335] {strides = array<i32>} : memref<512x64xf32, #tpu.memory_space<vmem>>, vector<16xf32>,
      %get3A_337 = arith.index_cast %add3A_333 : i32 to index
      %get3A_338 = arith.constant 0 : index
      %get3A_339 = tpu.vector_load %arg10[%get3A_337, %get3A_338] {strides = array<i32>} : memref<512x64xf32, #tpu.memory_space<vmem>>, vector<16xf32>,
      %mul3A_340 = arith.mulf %get3A_336, %get3A_339 : vector<16xf32>
      %get3A_341 = arith.index_cast %add3A_333 : i32 to index
      %get3A_342 = arith.constant 16 : index
      %get3A_343 = tpu.vector_load %arg9[%get3A_341, %get3A_342] {strides = array<i32>} : memref<512x64xf32, #tpu.memory_space<vmem>>, vector<16xf32>,
      %get3A_344 = arith.index_cast %add3A_333 : i32 to index
      %get3A_345 = arith.constant 16 : index
      %get3A_346 = tpu.vector_load %arg10[%get3A_344, %get3A_345] {strides = array<i32>} : memref<512x64xf32, #tpu.memory_space<vmem>>, vector<16xf32>,
      %mul3A_347 = arith.mulf %get3A_343, %get3A_346 : vector<16xf32>
      %add3A_348 = arith.addf %mul3A_340, %mul3A_347 : vector<16xf32>
      %get3A_349 = arith.index_cast %add3A_333 : i32 to index
      %get3A_350 = arith.constant 32 : index
      %get3A_351 = tpu.vector_load %arg9[%get3A_349, %get3A_350] {strides = array<i32>} : memref<512x64xf32, #tpu.memory_space<vmem>>, vector<16xf32>,
      %get3A_352 = arith.index_cast %add3A_333 : i32 to index
      %get3A_353 = arith.constant 32 : index
      %get3A_354 = tpu.vector_load %arg10[%get3A_352, %get3A_353] {strides = array<i32>} : memref<512x64xf32, #tpu.memory_space<vmem>>, vector<16xf32>,
      %mul3A_355 = arith.mulf %get3A_351, %get3A_354 : vector<16xf32>
      %add3A_356 = arith.addf %add3A_348, %mul3A_355 : vector<16xf32>
      %get3A_357 = arith.index_cast %add3A_333 : i32 to index
      %get3A_358 = arith.constant 48 : index
      %get3A_359 = tpu.vector_load %arg9[%get3A_357, %get3A_358] {strides = array<i32>} : memref<512x64xf32, #tpu.memory_space<vmem>>, vector<16xf32>,
      %get3A_360 = arith.index_cast %add3A_333 : i32 to index
      %get3A_361 = arith.constant 48 : index
      %get3A_362 = tpu.vector_load %arg10[%get3A_360, %get3A_361] {strides = array<i32>} : memref<512x64xf32, #tpu.memory_space<vmem>>, vector<16xf32>,
      %mul3A_363 = arith.mulf %get3A_359, %get3A_362 : vector<16xf32>
      %add3A_364 = arith.addf %add3A_356, %mul3A_363 : vector<16xf32>
      %mul3A_365 = arith.constant 16 : i32
      %mul3A_366 = vector.broadcast %mul3A_365 : i32 to vector<16xi32>
      %mul3A_367 = arith.muli %iota3A, %mul3A_366 : vector<16xi32>
      %add3A_368 = arith.constant 8 : i32
      %add3A_369 = vector.broadcast %add3A_368 : i32 to vector<16xi32>
      %add3A_370 = arith.addi %mul3A_367, %add3A_369 : vector<16xi32>
      tpu.vector_store_idx %arg11[%add3A_370], %add3A_364 : memref<256xf32, #tpu.memory_space<vmem>>[vector<16xi32>], vector<16xf32>,
      %add3A_371 = arith.constant 9 : i32
      %add3A_372 = arith.addi %mul3A_20, %add3A_371 : i32
      %get3A_373 = arith.index_cast %add3A_372 : i32 to index
      %get3A_374 = arith.constant 0 : index
      %get3A_375 = tpu.vector_load %arg9[%get3A_373, %get3A_374] {strides = array<i32>} : memref<512x64xf32, #tpu.memory_space<vmem>>, vector<16xf32>,
      %get3A_376 = arith.index_cast %add3A_372 : i32 to index
      %get3A_377 = arith.constant 0 : index
      %get3A_378 = tpu.vector_load %arg10[%get3A_376, %get3A_377] {strides = array<i32>} : memref<512x64xf32, #tpu.memory_space<vmem>>, vector<16xf32>,
      %mul3A_379 = arith.mulf %get3A_375, %get3A_378 : vector<16xf32>
      %get3A_380 = arith.index_cast %add3A_372 : i32 to index
      %get3A_381 = arith.constant 16 : index
      %get3A_382 = tpu.vector_load %arg9[%get3A_380, %get3A_381] {strides = array<i32>} : memref<512x64xf32, #tpu.memory_space<vmem>>, vector<16xf32>,
      %get3A_383 = arith.index_cast %add3A_372 : i32 to index
      %get3A_384 = arith.constant 16 : index
      %get3A_385 = tpu.vector_load %arg10[%get3A_383, %get3A_384] {strides = array<i32>} : memref<512x64xf32, #tpu.memory_space<vmem>>, vector<16xf32>,
      %mul3A_386 = arith.mulf %get3A_382, %get3A_385 : vector<16xf32>
      %add3A_387 = arith.addf %mul3A_379, %mul3A_386 : vector<16xf32>
      %get3A_388 = arith.index_cast %add3A_372 : i32 to index
      %get3A_389 = arith.constant 32 : index
      %get3A_390 = tpu.vector_load %arg9[%get3A_388, %get3A_389] {strides = array<i32>} : memref<512x64xf32, #tpu.memory_space<vmem>>, vector<16xf32>,
      %get3A_391 = arith.index_cast %add3A_372 : i32 to index
      %get3A_392 = arith.constant 32 : index
      %get3A_393 = tpu.vector_load %arg10[%get3A_391, %get3A_392] {strides = array<i32>} : memref<512x64xf32, #tpu.memory_space<vmem>>, vector<16xf32>,
      %mul3A_394 = arith.mulf %get3A_390, %get3A_393 : vector<16xf32>
      %add3A_395 = arith.addf %add3A_387, %mul3A_394 : vector<16xf32>
      %get3A_396 = arith.index_cast %add3A_372 : i32 to index
      %get3A_397 = arith.constant 48 : index
      %get3A_398 = tpu.vector_load %arg9[%get3A_396, %get3A_397] {strides = array<i32>} : memref<512x64xf32, #tpu.memory_space<vmem>>, vector<16xf32>,
      %get3A_399 = arith.index_cast %add3A_372 : i32 to index
      %get3A_400 = arith.constant 48 : index
      %get3A_401 = tpu.vector_load %arg10[%get3A_399, %get3A_400] {strides = array<i32>} : memref<512x64xf32, #tpu.memory_space<vmem>>, vector<16xf32>,
      %mul3A_402 = arith.mulf %get3A_398, %get3A_401 : vector<16xf32>
      %add3A_403 = arith.addf %add3A_395, %mul3A_402 : vector<16xf32>
      %mul3A_404 = arith.constant 16 : i32
      %mul3A_405 = vector.broadcast %mul3A_404 : i32 to vector<16xi32>
      %mul3A_406 = arith.muli %iota3A, %mul3A_405 : vector<16xi32>
      %add3A_407 = arith.constant 9 : i32
      %add3A_408 = vector.broadcast %add3A_407 : i32 to vector<16xi32>
      %add3A_409 = arith.addi %mul3A_406, %add3A_408 : vector<16xi32>
      tpu.vector_store_idx %arg11[%add3A_409], %add3A_403 : memref<256xf32, #tpu.memory_space<vmem>>[vector<16xi32>], vector<16xf32>,
      %add3A_410 = arith.constant 10 : i32
      %add3A_411 = arith.addi %mul3A_20, %add3A_410 : i32
      %get3A_412 = arith.index_cast %add3A_411 : i32 to index
      %get3A_413 = arith.constant 0 : index
      %get3A_414 = tpu.vector_load %arg9[%get3A_412, %get3A_413] {strides = array<i32>} : memref<512x64xf32, #tpu.memory_space<vmem>>, vector<16xf32>,
      %get3A_415 = arith.index_cast %add3A_411 : i32 to index
      %get3A_416 = arith.constant 0 : index
      %get3A_417 = tpu.vector_load %arg10[%get3A_415, %get3A_416] {strides = array<i32>} : memref<512x64xf32, #tpu.memory_space<vmem>>, vector<16xf32>,
      %mul3A_418 = arith.mulf %get3A_414, %get3A_417 : vector<16xf32>
      %get3A_419 = arith.index_cast %add3A_411 : i32 to index
      %get3A_420 = arith.constant 16 : index
      %get3A_421 = tpu.vector_load %arg9[%get3A_419, %get3A_420] {strides = array<i32>} : memref<512x64xf32, #tpu.memory_space<vmem>>, vector<16xf32>,
      %get3A_422 = arith.index_cast %add3A_411 : i32 to index
      %get3A_423 = arith.constant 16 : index
      %get3A_424 = tpu.vector_load %arg10[%get3A_422, %get3A_423] {strides = array<i32>} : memref<512x64xf32, #tpu.memory_space<vmem>>, vector<16xf32>,
      %mul3A_425 = arith.mulf %get3A_421, %get3A_424 : vector<16xf32>
      %add3A_426 = arith.addf %mul3A_418, %mul3A_425 : vector<16xf32>
      %get3A_427 = arith.index_cast %add3A_411 : i32 to index
      %get3A_428 = arith.constant 32 : index
      %get3A_429 = tpu.vector_load %arg9[%get3A_427, %get3A_428] {strides = array<i32>} : memref<512x64xf32, #tpu.memory_space<vmem>>, vector<16xf32>,
      %get3A_430 = arith.index_cast %add3A_411 : i32 to index
      %get3A_431 = arith.constant 32 : index
      %get3A_432 = tpu.vector_load %arg10[%get3A_430, %get3A_431] {strides = array<i32>} : memref<512x64xf32, #tpu.memory_space<vmem>>, vector<16xf32>,
      %mul3A_433 = arith.mulf %get3A_429, %get3A_432 : vector<16xf32>
      %add3A_434 = arith.addf %add3A_426, %mul3A_433 : vector<16xf32>
      %get3A_435 = arith.index_cast %add3A_411 : i32 to index
      %get3A_436 = arith.constant 48 : index
      %get3A_437 = tpu.vector_load %arg9[%get3A_435, %get3A_436] {strides = array<i32>} : memref<512x64xf32, #tpu.memory_space<vmem>>, vector<16xf32>,
      %get3A_438 = arith.index_cast %add3A_411 : i32 to index
      %get3A_439 = arith.constant 48 : index
      %get3A_440 = tpu.vector_load %arg10[%get3A_438, %get3A_439] {strides = array<i32>} : memref<512x64xf32, #tpu.memory_space<vmem>>, vector<16xf32>,
      %mul3A_441 = arith.mulf %get3A_437, %get3A_440 : vector<16xf32>
      %add3A_442 = arith.addf %add3A_434, %mul3A_441 : vector<16xf32>
      %mul3A_443 = arith.constant 16 : i32
      %mul3A_444 = vector.broadcast %mul3A_443 : i32 to vector<16xi32>
      %mul3A_445 = arith.muli %iota3A, %mul3A_444 : vector<16xi32>
      %add3A_446 = arith.constant 10 : i32
      %add3A_447 = vector.broadcast %add3A_446 : i32 to vector<16xi32>
      %add3A_448 = arith.addi %mul3A_445, %add3A_447 : vector<16xi32>
      tpu.vector_store_idx %arg11[%add3A_448], %add3A_442 : memref<256xf32, #tpu.memory_space<vmem>>[vector<16xi32>], vector<16xf32>,
      %add3A_449 = arith.constant 11 : i32
      %add3A_450 = arith.addi %mul3A_20, %add3A_449 : i32
      %get3A_451 = arith.index_cast %add3A_450 : i32 to index
      %get3A_452 = arith.constant 0 : index
      %get3A_453 = tpu.vector_load %arg9[%get3A_451, %get3A_452] {strides = array<i32>} : memref<512x64xf32, #tpu.memory_space<vmem>>, vector<16xf32>,
      %get3A_454 = arith.index_cast %add3A_450 : i32 to index
      %get3A_455 = arith.constant 0 : index
      %get3A_456 = tpu.vector_load %arg10[%get3A_454, %get3A_455] {strides = array<i32>} : memref<512x64xf32, #tpu.memory_space<vmem>>, vector<16xf32>,
      %mul3A_457 = arith.mulf %get3A_453, %get3A_456 : vector<16xf32>
      %get3A_458 = arith.index_cast %add3A_450 : i32 to index
      %get3A_459 = arith.constant 16 : index
      %get3A_460 = tpu.vector_load %arg9[%get3A_458, %get3A_459] {strides = array<i32>} : memref<512x64xf32, #tpu.memory_space<vmem>>, vector<16xf32>,
      %get3A_461 = arith.index_cast %add3A_450 : i32 to index
      %get3A_462 = arith.constant 16 : index
      %get3A_463 = tpu.vector_load %arg10[%get3A_461, %get3A_462] {strides = array<i32>} : memref<512x64xf32, #tpu.memory_space<vmem>>, vector<16xf32>,
      %mul3A_464 = arith.mulf %get3A_460, %get3A_463 : vector<16xf32>
      %add3A_465 = arith.addf %mul3A_457, %mul3A_464 : vector<16xf32>
      %get3A_466 = arith.index_cast %add3A_450 : i32 to index
      %get3A_467 = arith.constant 32 : index
      %get3A_468 = tpu.vector_load %arg9[%get3A_466, %get3A_467] {strides = array<i32>} : memref<512x64xf32, #tpu.memory_space<vmem>>, vector<16xf32>,
      %get3A_469 = arith.index_cast %add3A_450 : i32 to index
      %get3A_470 = arith.constant 32 : index
      %get3A_471 = tpu.vector_load %arg10[%get3A_469, %get3A_470] {strides = array<i32>} : memref<512x64xf32, #tpu.memory_space<vmem>>, vector<16xf32>,
      %mul3A_472 = arith.mulf %get3A_468, %get3A_471 : vector<16xf32>
      %add3A_473 = arith.addf %add3A_465, %mul3A_472 : vector<16xf32>
      %get3A_474 = arith.index_cast %add3A_450 : i32 to index
      %get3A_475 = arith.constant 48 : index
      %get3A_476 = tpu.vector_load %arg9[%get3A_474, %get3A_475] {strides = array<i32>} : memref<512x64xf32, #tpu.memory_space<vmem>>, vector<16xf32>,
      %get3A_477 = arith.index_cast %add3A_450 : i32 to index
      %get3A_478 = arith.constant 48 : index
      %get3A_479 = tpu.vector_load %arg10[%get3A_477, %get3A_478] {strides = array<i32>} : memref<512x64xf32, #tpu.memory_space<vmem>>, vector<16xf32>,
      %mul3A_480 = arith.mulf %get3A_476, %get3A_479 : vector<16xf32>
      %add3A_481 = arith.addf %add3A_473, %mul3A_480 : vector<16xf32>
      %mul3A_482 = arith.constant 16 : i32
      %mul3A_483 = vector.broadcast %mul3A_482 : i32 to vector<16xi32>
      %mul3A_484 = arith.muli %iota3A, %mul3A_483 : vector<16xi32>
      %add3A_485 = arith.constant 11 : i32
      %add3A_486 = vector.broadcast %add3A_485 : i32 to vector<16xi32>
      %add3A_487 = arith.addi %mul3A_484, %add3A_486 : vector<16xi32>
      tpu.vector_store_idx %arg11[%add3A_487], %add3A_481 : memref<256xf32, #tpu.memory_space<vmem>>[vector<16xi32>], vector<16xf32>,
      %add3A_488 = arith.constant 12 : i32
      %add3A_489 = arith.addi %mul3A_20, %add3A_488 : i32
      %get3A_490 = arith.index_cast %add3A_489 : i32 to index
      %get3A_491 = arith.constant 0 : index
      %get3A_492 = tpu.vector_load %arg9[%get3A_490, %get3A_491] {strides = array<i32>} : memref<512x64xf32, #tpu.memory_space<vmem>>, vector<16xf32>,
      %get3A_493 = arith.index_cast %add3A_489 : i32 to index
      %get3A_494 = arith.constant 0 : index
      %get3A_495 = tpu.vector_load %arg10[%get3A_493, %get3A_494] {strides = array<i32>} : memref<512x64xf32, #tpu.memory_space<vmem>>, vector<16xf32>,
      %mul3A_496 = arith.mulf %get3A_492, %get3A_495 : vector<16xf32>
      %get3A_497 = arith.index_cast %add3A_489 : i32 to index
      %get3A_498 = arith.constant 16 : index
      %get3A_499 = tpu.vector_load %arg9[%get3A_497, %get3A_498] {strides = array<i32>} : memref<512x64xf32, #tpu.memory_space<vmem>>, vector<16xf32>,
      %get3A_500 = arith.index_cast %add3A_489 : i32 to index
      %get3A_501 = arith.constant 16 : index
      %get3A_502 = tpu.vector_load %arg10[%get3A_500, %get3A_501] {strides = array<i32>} : memref<512x64xf32, #tpu.memory_space<vmem>>, vector<16xf32>,
      %mul3A_503 = arith.mulf %get3A_499, %get3A_502 : vector<16xf32>
      %add3A_504 = arith.addf %mul3A_496, %mul3A_503 : vector<16xf32>
      %get3A_505 = arith.index_cast %add3A_489 : i32 to index
      %get3A_506 = arith.constant 32 : index
      %get3A_507 = tpu.vector_load %arg9[%get3A_505, %get3A_506] {strides = array<i32>} : memref<512x64xf32, #tpu.memory_space<vmem>>, vector<16xf32>,
      %get3A_508 = arith.index_cast %add3A_489 : i32 to index
      %get3A_509 = arith.constant 32 : index
      %get3A_510 = tpu.vector_load %arg10[%get3A_508, %get3A_509] {strides = array<i32>} : memref<512x64xf32, #tpu.memory_space<vmem>>, vector<16xf32>,
      %mul3A_511 = arith.mulf %get3A_507, %get3A_510 : vector<16xf32>
      %add3A_512 = arith.addf %add3A_504, %mul3A_511 : vector<16xf32>
      %get3A_513 = arith.index_cast %add3A_489 : i32 to index
      %get3A_514 = arith.constant 48 : index
      %get3A_515 = tpu.vector_load %arg9[%get3A_513, %get3A_514] {strides = array<i32>} : memref<512x64xf32, #tpu.memory_space<vmem>>, vector<16xf32>,
      %get3A_516 = arith.index_cast %add3A_489 : i32 to index
      %get3A_517 = arith.constant 48 : index
      %get3A_518 = tpu.vector_load %arg10[%get3A_516, %get3A_517] {strides = array<i32>} : memref<512x64xf32, #tpu.memory_space<vmem>>, vector<16xf32>,
      %mul3A_519 = arith.mulf %get3A_515, %get3A_518 : vector<16xf32>
      %add3A_520 = arith.addf %add3A_512, %mul3A_519 : vector<16xf32>
      %mul3A_521 = arith.constant 16 : i32
      %mul3A_522 = vector.broadcast %mul3A_521 : i32 to vector<16xi32>
      %mul3A_523 = arith.muli %iota3A, %mul3A_522 : vector<16xi32>
      %add3A_524 = arith.constant 12 : i32
      %add3A_525 = vector.broadcast %add3A_524 : i32 to vector<16xi32>
      %add3A_526 = arith.addi %mul3A_523, %add3A_525 : vector<16xi32>
      tpu.vector_store_idx %arg11[%add3A_526], %add3A_520 : memref<256xf32, #tpu.memory_space<vmem>>[vector<16xi32>], vector<16xf32>,
      %add3A_527 = arith.constant 13 : i32
      %add3A_528 = arith.addi %mul3A_20, %add3A_527 : i32
      %get3A_529 = arith.index_cast %add3A_528 : i32 to index
      %get3A_530 = arith.constant 0 : index
      %get3A_531 = tpu.vector_load %arg9[%get3A_529, %get3A_530] {strides = array<i32>} : memref<512x64xf32, #tpu.memory_space<vmem>>, vector<16xf32>,
      %get3A_532 = arith.index_cast %add3A_528 : i32 to index
      %get3A_533 = arith.constant 0 : index
      %get3A_534 = tpu.vector_load %arg10[%get3A_532, %get3A_533] {strides = array<i32>} : memref<512x64xf32, #tpu.memory_space<vmem>>, vector<16xf32>,
      %mul3A_535 = arith.mulf %get3A_531, %get3A_534 : vector<16xf32>
      %get3A_536 = arith.index_cast %add3A_528 : i32 to index
      %get3A_537 = arith.constant 16 : index
      %get3A_538 = tpu.vector_load %arg9[%get3A_536, %get3A_537] {strides = array<i32>} : memref<512x64xf32, #tpu.memory_space<vmem>>, vector<16xf32>,
      %get3A_539 = arith.index_cast %add3A_528 : i32 to index
      %get3A_540 = arith.constant 16 : index
      %get3A_541 = tpu.vector_load %arg10[%get3A_539, %get3A_540] {strides = array<i32>} : memref<512x64xf32, #tpu.memory_space<vmem>>, vector<16xf32>,
      %mul3A_542 = arith.mulf %get3A_538, %get3A_541 : vector<16xf32>
      %add3A_543 = arith.addf %mul3A_535, %mul3A_542 : vector<16xf32>
      %get3A_544 = arith.index_cast %add3A_528 : i32 to index
      %get3A_545 = arith.constant 32 : index
      %get3A_546 = tpu.vector_load %arg9[%get3A_544, %get3A_545] {strides = array<i32>} : memref<512x64xf32, #tpu.memory_space<vmem>>, vector<16xf32>,
      %get3A_547 = arith.index_cast %add3A_528 : i32 to index
      %get3A_548 = arith.constant 32 : index
      %get3A_549 = tpu.vector_load %arg10[%get3A_547, %get3A_548] {strides = array<i32>} : memref<512x64xf32, #tpu.memory_space<vmem>>, vector<16xf32>,
      %mul3A_550 = arith.mulf %get3A_546, %get3A_549 : vector<16xf32>
      %add3A_551 = arith.addf %add3A_543, %mul3A_550 : vector<16xf32>
      %get3A_552 = arith.index_cast %add3A_528 : i32 to index
      %get3A_553 = arith.constant 48 : index
      %get3A_554 = tpu.vector_load %arg9[%get3A_552, %get3A_553] {strides = array<i32>} : memref<512x64xf32, #tpu.memory_space<vmem>>, vector<16xf32>,
      %get3A_555 = arith.index_cast %add3A_528 : i32 to index
      %get3A_556 = arith.constant 48 : index
      %get3A_557 = tpu.vector_load %arg10[%get3A_555, %get3A_556] {strides = array<i32>} : memref<512x64xf32, #tpu.memory_space<vmem>>, vector<16xf32>,
      %mul3A_558 = arith.mulf %get3A_554, %get3A_557 : vector<16xf32>
      %add3A_559 = arith.addf %add3A_551, %mul3A_558 : vector<16xf32>
      %mul3A_560 = arith.constant 16 : i32
      %mul3A_561 = vector.broadcast %mul3A_560 : i32 to vector<16xi32>
      %mul3A_562 = arith.muli %iota3A, %mul3A_561 : vector<16xi32>
      %add3A_563 = arith.constant 13 : i32
      %add3A_564 = vector.broadcast %add3A_563 : i32 to vector<16xi32>
      %add3A_565 = arith.addi %mul3A_562, %add3A_564 : vector<16xi32>
      tpu.vector_store_idx %arg11[%add3A_565], %add3A_559 : memref<256xf32, #tpu.memory_space<vmem>>[vector<16xi32>], vector<16xf32>,
      %add3A_566 = arith.constant 14 : i32
      %add3A_567 = arith.addi %mul3A_20, %add3A_566 : i32
      %get3A_568 = arith.index_cast %add3A_567 : i32 to index
      %get3A_569 = arith.constant 0 : index
      %get3A_570 = tpu.vector_load %arg9[%get3A_568, %get3A_569] {strides = array<i32>} : memref<512x64xf32, #tpu.memory_space<vmem>>, vector<16xf32>,
      %get3A_571 = arith.index_cast %add3A_567 : i32 to index
      %get3A_572 = arith.constant 0 : index
      %get3A_573 = tpu.vector_load %arg10[%get3A_571, %get3A_572] {strides = array<i32>} : memref<512x64xf32, #tpu.memory_space<vmem>>, vector<16xf32>,
      %mul3A_574 = arith.mulf %get3A_570, %get3A_573 : vector<16xf32>
      %get3A_575 = arith.index_cast %add3A_567 : i32 to index
      %get3A_576 = arith.constant 16 : index
      %get3A_577 = tpu.vector_load %arg9[%get3A_575, %get3A_576] {strides = array<i32>} : memref<512x64xf32, #tpu.memory_space<vmem>>, vector<16xf32>,
      %get3A_578 = arith.index_cast %add3A_567 : i32 to index
      %get3A_579 = arith.constant 16 : index
      %get3A_580 = tpu.vector_load %arg10[%get3A_578, %get3A_579] {strides = array<i32>} : memref<512x64xf32, #tpu.memory_space<vmem>>, vector<16xf32>,
      %mul3A_581 = arith.mulf %get3A_577, %get3A_580 : vector<16xf32>
      %add3A_582 = arith.addf %mul3A_574, %mul3A_581 : vector<16xf32>
      %get3A_583 = arith.index_cast %add3A_567 : i32 to index
      %get3A_584 = arith.constant 32 : index
      %get3A_585 = tpu.vector_load %arg9[%get3A_583, %get3A_584] {strides = array<i32>} : memref<512x64xf32, #tpu.memory_space<vmem>>, vector<16xf32>,
      %get3A_586 = arith.index_cast %add3A_567 : i32 to index
      %get3A_587 = arith.constant 32 : index
      %get3A_588 = tpu.vector_load %arg10[%get3A_586, %get3A_587] {strides = array<i32>} : memref<512x64xf32, #tpu.memory_space<vmem>>, vector<16xf32>,
      %mul3A_589 = arith.mulf %get3A_585, %get3A_588 : vector<16xf32>
      %add3A_590 = arith.addf %add3A_582, %mul3A_589 : vector<16xf32>
      %get3A_591 = arith.index_cast %add3A_567 : i32 to index
      %get3A_592 = arith.constant 48 : index
      %get3A_593 = tpu.vector_load %arg9[%get3A_591, %get3A_592] {strides = array<i32>} : memref<512x64xf32, #tpu.memory_space<vmem>>, vector<16xf32>,
      %get3A_594 = arith.index_cast %add3A_567 : i32 to index
      %get3A_595 = arith.constant 48 : index
      %get3A_596 = tpu.vector_load %arg10[%get3A_594, %get3A_595] {strides = array<i32>} : memref<512x64xf32, #tpu.memory_space<vmem>>, vector<16xf32>,
      %mul3A_597 = arith.mulf %get3A_593, %get3A_596 : vector<16xf32>
      %add3A_598 = arith.addf %add3A_590, %mul3A_597 : vector<16xf32>
      %mul3A_599 = arith.constant 16 : i32
      %mul3A_600 = vector.broadcast %mul3A_599 : i32 to vector<16xi32>
      %mul3A_601 = arith.muli %iota3A, %mul3A_600 : vector<16xi32>
      %add3A_602 = arith.constant 14 : i32
      %add3A_603 = vector.broadcast %add3A_602 : i32 to vector<16xi32>
      %add3A_604 = arith.addi %mul3A_601, %add3A_603 : vector<16xi32>
      tpu.vector_store_idx %arg11[%add3A_604], %add3A_598 : memref<256xf32, #tpu.memory_space<vmem>>[vector<16xi32>], vector<16xf32>,
      %add3A_605 = arith.constant 15 : i32
      %add3A_606 = arith.addi %mul3A_20, %add3A_605 : i32
      %get3A_607 = arith.index_cast %add3A_606 : i32 to index
      %get3A_608 = arith.constant 0 : index
      %get3A_609 = tpu.vector_load %arg9[%get3A_607, %get3A_608] {strides = array<i32>} : memref<512x64xf32, #tpu.memory_space<vmem>>, vector<16xf32>,
      %get3A_610 = arith.index_cast %add3A_606 : i32 to index
      %get3A_611 = arith.constant 0 : index
      %get3A_612 = tpu.vector_load %arg10[%get3A_610, %get3A_611] {strides = array<i32>} : memref<512x64xf32, #tpu.memory_space<vmem>>, vector<16xf32>,
      %mul3A_613 = arith.mulf %get3A_609, %get3A_612 : vector<16xf32>
      %get3A_614 = arith.index_cast %add3A_606 : i32 to index
      %get3A_615 = arith.constant 16 : index
      %get3A_616 = tpu.vector_load %arg9[%get3A_614, %get3A_615] {strides = array<i32>} : memref<512x64xf32, #tpu.memory_space<vmem>>, vector<16xf32>,
      %get3A_617 = arith.index_cast %add3A_606 : i32 to index
      %get3A_618 = arith.constant 16 : index
      %get3A_619 = tpu.vector_load %arg10[%get3A_617, %get3A_618] {strides = array<i32>} : memref<512x64xf32, #tpu.memory_space<vmem>>, vector<16xf32>,
      %mul3A_620 = arith.mulf %get3A_616, %get3A_619 : vector<16xf32>
      %add3A_621 = arith.addf %mul3A_613, %mul3A_620 : vector<16xf32>
      %get3A_622 = arith.index_cast %add3A_606 : i32 to index
      %get3A_623 = arith.constant 32 : index
      %get3A_624 = tpu.vector_load %arg9[%get3A_622, %get3A_623] {strides = array<i32>} : memref<512x64xf32, #tpu.memory_space<vmem>>, vector<16xf32>,
      %get3A_625 = arith.index_cast %add3A_606 : i32 to index
      %get3A_626 = arith.constant 32 : index
      %get3A_627 = tpu.vector_load %arg10[%get3A_625, %get3A_626] {strides = array<i32>} : memref<512x64xf32, #tpu.memory_space<vmem>>, vector<16xf32>,
      %mul3A_628 = arith.mulf %get3A_624, %get3A_627 : vector<16xf32>
      %add3A_629 = arith.addf %add3A_621, %mul3A_628 : vector<16xf32>
      %get3A_630 = arith.index_cast %add3A_606 : i32 to index
      %get3A_631 = arith.constant 48 : index
      %get3A_632 = tpu.vector_load %arg9[%get3A_630, %get3A_631] {strides = array<i32>} : memref<512x64xf32, #tpu.memory_space<vmem>>, vector<16xf32>,
      %get3A_633 = arith.index_cast %add3A_606 : i32 to index
      %get3A_634 = arith.constant 48 : index
      %get3A_635 = tpu.vector_load %arg10[%get3A_633, %get3A_634] {strides = array<i32>} : memref<512x64xf32, #tpu.memory_space<vmem>>, vector<16xf32>,
      %mul3A_636 = arith.mulf %get3A_632, %get3A_635 : vector<16xf32>
      %add3A_637 = arith.addf %add3A_629, %mul3A_636 : vector<16xf32>
      %mul3A_638 = arith.constant 16 : i32
      %mul3A_639 = vector.broadcast %mul3A_638 : i32 to vector<16xi32>
      %mul3A_640 = arith.muli %iota3A, %mul3A_639 : vector<16xi32>
      %add3A_641 = arith.constant 15 : i32
      %add3A_642 = vector.broadcast %add3A_641 : i32 to vector<16xi32>
      %add3A_643 = arith.addi %mul3A_640, %add3A_642 : vector<16xi32>
      tpu.vector_store_idx %arg11[%add3A_643], %add3A_637 : memref<256xf32, #tpu.memory_space<vmem>>[vector<16xi32>], vector<16xf32>,
      %get3A_644 = arith.constant 0 : index
      %get3A_645 = tpu.vector_load %arg11[%get3A_644] {strides = array<i32>} : memref<256xf32, #tpu.memory_space<vmem>>, vector<16xf32>,
      %get3A_646 = arith.constant 16 : index
      %get3A_647 = tpu.vector_load %arg11[%get3A_646] {strides = array<i32>} : memref<256xf32, #tpu.memory_space<vmem>>, vector<16xf32>,
      %add3A_648 = arith.addf %get3A_645, %get3A_647 : vector<16xf32>
      %get3A_649 = arith.constant 32 : index
      %get3A_650 = tpu.vector_load %arg11[%get3A_649] {strides = array<i32>} : memref<256xf32, #tpu.memory_space<vmem>>, vector<16xf32>,
      %add3A_651 = arith.addf %add3A_648, %get3A_650 : vector<16xf32>
      %get3A_652 = arith.constant 48 : index
      %get3A_653 = tpu.vector_load %arg11[%get3A_652] {strides = array<i32>} : memref<256xf32, #tpu.memory_space<vmem>>, vector<16xf32>,
      %add3A_654 = arith.addf %add3A_651, %get3A_653 : vector<16xf32>
      %get3A_655 = arith.constant 64 : index
      %get3A_656 = tpu.vector_load %arg11[%get3A_655] {strides = array<i32>} : memref<256xf32, #tpu.memory_space<vmem>>, vector<16xf32>,
      %add3A_657 = arith.addf %add3A_654, %get3A_656 : vector<16xf32>
      %get3A_658 = arith.constant 80 : index
      %get3A_659 = tpu.vector_load %arg11[%get3A_658] {strides = array<i32>} : memref<256xf32, #tpu.memory_space<vmem>>, vector<16xf32>,
      %add3A_660 = arith.addf %add3A_657, %get3A_659 : vector<16xf32>
      %get3A_661 = arith.constant 96 : index
      %get3A_662 = tpu.vector_load %arg11[%get3A_661] {strides = array<i32>} : memref<256xf32, #tpu.memory_space<vmem>>, vector<16xf32>,
      %add3A_663 = arith.addf %add3A_660, %get3A_662 : vector<16xf32>
      %get3A_664 = arith.constant 112 : index
      %get3A_665 = tpu.vector_load %arg11[%get3A_664] {strides = array<i32>} : memref<256xf32, #tpu.memory_space<vmem>>, vector<16xf32>,
      %add3A_666 = arith.addf %add3A_663, %get3A_665 : vector<16xf32>
      %get3A_667 = arith.constant 128 : index
      %get3A_668 = tpu.vector_load %arg11[%get3A_667] {strides = array<i32>} : memref<256xf32, #tpu.memory_space<vmem>>, vector<16xf32>,
      %add3A_669 = arith.addf %add3A_666, %get3A_668 : vector<16xf32>
      %get3A_670 = arith.constant 144 : index
      %get3A_671 = tpu.vector_load %arg11[%get3A_670] {strides = array<i32>} : memref<256xf32, #tpu.memory_space<vmem>>, vector<16xf32>,
      %add3A_672 = arith.addf %add3A_669, %get3A_671 : vector<16xf32>
      %get3A_673 = arith.constant 160 : index
      %get3A_674 = tpu.vector_load %arg11[%get3A_673] {strides = array<i32>} : memref<256xf32, #tpu.memory_space<vmem>>, vector<16xf32>,
      %add3A_675 = arith.addf %add3A_672, %get3A_674 : vector<16xf32>
      %get3A_676 = arith.constant 176 : index
      %get3A_677 = tpu.vector_load %arg11[%get3A_676] {strides = array<i32>} : memref<256xf32, #tpu.memory_space<vmem>>, vector<16xf32>,
      %add3A_678 = arith.addf %add3A_675, %get3A_677 : vector<16xf32>
      %get3A_679 = arith.constant 192 : index
      %get3A_680 = tpu.vector_load %arg11[%get3A_679] {strides = array<i32>} : memref<256xf32, #tpu.memory_space<vmem>>, vector<16xf32>,
      %add3A_681 = arith.addf %add3A_678, %get3A_680 : vector<16xf32>
      %get3A_682 = arith.constant 208 : index
      %get3A_683 = tpu.vector_load %arg11[%get3A_682] {strides = array<i32>} : memref<256xf32, #tpu.memory_space<vmem>>, vector<16xf32>,
      %add3A_684 = arith.addf %add3A_681, %get3A_683 : vector<16xf32>
      %get3A_685 = arith.constant 224 : index
      %get3A_686 = tpu.vector_load %arg11[%get3A_685] {strides = array<i32>} : memref<256xf32, #tpu.memory_space<vmem>>, vector<16xf32>,
      %add3A_687 = arith.addf %add3A_684, %get3A_686 : vector<16xf32>
      %get3A_688 = arith.constant 240 : index
      %get3A_689 = tpu.vector_load %arg11[%get3A_688] {strides = array<i32>} : memref<256xf32, #tpu.memory_space<vmem>>, vector<16xf32>,
      %add3A_690 = arith.addf %add3A_687, %get3A_689 : vector<16xf32>
      %swap3A = arith.index_cast %mul3A_20 : i32 to index
      %swap3A_691 = tpu.vector_load %arg12[%swap3A] {strides = array<i32>} : memref<512xf32, #tpu.memory_space<vmem>>, vector<16xf32>,
      tpu.vector_store %arg12[%swap3A], %add3A_690 {strides = array<i32>} : memref<512xf32, #tpu.memory_space<vmem>>, vector<16xf32>,
    }
    %scan3A_17 = arith.constant 32 : i32
    "tpu.region"() ({
      %run_scoped3A = tpu.sem_alloc : memref<!tpu.dma_semaphore, #tpu.memory_space<semaphore_mem>>
      %dma_start3A_18 = tpu.memref_slice %arg6[%mul3A_2] : memref<16384xf32, #tpu.memory_space<hbm>> -> memref<512xf32, #tpu.memory_space<hbm>>
      %dma_start3A_19 = tpu.memref_slice %arg6[%mul3A_2] : memref<16384xf32, #tpu.memory_space<hbm>> -> memref<512xf32, #tpu.memory_space<hbm>>
      tpu.enqueue_dma source(%arg12 : memref<512xf32, #tpu.memory_space<vmem>>) target(%dma_start3A_19 : memref<512xf32, #tpu.memory_space<hbm>>) target_semaphore(%run_scoped3A : memref<!tpu.dma_semaphore, #tpu.memory_space<semaphore_mem>>)
      %dma_wait3A_20 = tpu.memref_slice %arg6[%mul3A_2] : memref<16384xf32, #tpu.memory_space<hbm>> -> memref<512xf32, #tpu.memory_space<hbm>>
      %dma_wait3A_21 = tpu.memref_slice %arg6[%mul3A_2] : memref<16384xf32, #tpu.memory_space<hbm>> -> memref<512xf32, #tpu.memory_space<hbm>>
      tpu.wait_dma2 semaphore(%run_scoped3A : memref<!tpu.dma_semaphore, #tpu.memory_space<semaphore_mem>>) src(%arg12 : memref<512xf32, #tpu.memory_space<vmem>>) dst(%dma_wait3A_21 : memref<512xf32, #tpu.memory_space<hbm>>)
      tpu.yield
    }) : () -> ()
    return
  }
}

</mosaic_0001>

<sc_bundles>
// kernel: kernel.3.cloned.1.call-start
scs
__scs_entry_jumppad:
0x0: {  	(pc) =	sbr.rel $0x88, $3  }
0x1: {  	(tag) =	ssettag $0x0;
	lr =	simm.s32 $0x1  }
0x2: {  	[smem:$0x3F9D] =	sst lr;
	_ =	strace $0xD0000000  }
0x3: {  	_ = 	snop  }
0x4: {  	_ = 	snop  }
0x5: {  	_ = 	snop  }
0x6: {  	_ = 	snop  }
0x7: {  	_ = 	snop  }
__scs_overlays_trampoline_lowered:
0x8: {  	[smem:$0x3FAC] =	sst s0  }
0x9: {  	[smem:$0x3FAD] =	sst s1  }
0xa: {  	[smem:$0x3FAE] =	sst s2  }
0xb: {  	[smem:$0x3FAF] =	sst s3  }
0xc: {  	[smem:$0x3FB0] =	sst s4  }
0xd: {  	[smem:$0x3FB1] =	sst s5  }
0xe: {  	[smem:$0x3FB2] =	sst s6  }
0xf: {  	[smem:$0x3FB3] =	sst s7  }
0x10: {  	[smem:$0x3FB4] =	sst s8  }
0x11: {  	[smem:$0x3FB5] =	sst s9;
	s0 =	simm.s32 @!p0 $0x0  }
0x12: {  	s1 =	sld [smem:$0x3F9B];
	s0 =	simm.s32 @p0 $0x1  }
0x13: {  	[smem:$0x3FB6] =	sst s0;
	s0 =	simm.s32 @!p1 $0x0  }
0x14: {  	s2 =	sld [smem:$0x3F9A];
	s0 =	simm.s32 @p1 $0x1  }
0x15: {  	[smem:$0x3FB7] =	sst s0;
	s0 =	simm.s32 @!p2 $0x0  }
0x16: {  	s3 =	sld [smem:$0x3FDB];
	s0 =	simm.s32 @p2 $0x1  }
0x17: {  	s4 =	simm.s32 $0x1BF5;
	[smem:$0x3FB9] =	sst s0  }
0x18: {  	s0 =	sld [smem:$0x3F9C];
	_ =	swait.ge [sflag:s4], $0x0  }
0x19: {  	s7 =	sld [smem:$0x3F9D]  }
0x1a: {  	s8 =	sadd.s32 $0xFFFFE003, lr  }
0x1b: {  	s9 =	sadd.s32 $0xFFFFFEF7, lr;
	s5 =	simm.s32 $0xFFFFFFFF;
	p2 =	slt.u32 s8, $0xFFFFF086  }
0x1c: {  	p1 =	slt.u32 s9, $0xF7A;
	s5 =	simm.s32 @!p2 $0x0  }
0x1d: {  	s5 =	simm.s32 @p1 $0x1;
	p0 =	seq.s32 s7, s2  }
0x1e: {  	s7 =	smul.u32 @!p0 $0xF7A, s2;
	p2 =	seq.s32 @!p0 s5, $0x0  }
0x1f: {  	s9 =	smul.u32 $0xF7A, s1;
	s8 =	simm.s32 @!p0 $0x1BF5;
	p2 =	por !p2, p0  }
0x20: {  	[sflag:s8] =	ssyncset.s32 @!p0 $0xFFFFF086;
	s6 =	sadd.s32 @!p0 s3, s7;
	s7 =	simm.s32 @!p0 $0x108  }
0x21: {  	s3 =	sadd.s32 s3, s9;
	s6 =	sadd.s32 @!p0 $0x88, s6;
	s7 =	simm.s32 @p2 $0x1082  }
0x22: {  	[simem:s7], [sflag:s8] =	dma.local @!p0 [hbm:s6], $0xF7A  }
0x23: {  	s9 =	sor.u32 $0xD0000000, s2;
	s6 =	simm.s32 $0x108;
	_ =	swait.ge @!p0 [sflag:s8], $0x0  }
0x24: {  	s3 =	sadd.s32 $0x88, s3;
	s6 =	simm.s32 @!p1 $0x1082;
	[sflag:s4] =	ssyncset.s32 $0xFFFFF086  }
0x25: {  	[simem:s6], [sflag:s4] =	dma.local [hbm:s3], $0xF7A  }
0x26: {  	[smem:$0x3F9D] =	sst s1;
	(tag) =	ssettag s2;
	_ =	strace s9  }
0x27: {  	s1 =	sld [smem:$0x3FAD]  }
0x28: {  	s2 =	sld [smem:$0x3FAE]  }
0x29: {  	s4 =	sld [smem:$0x3FB0]  }
0x2a: {  	p0 =	seq.s32 s5, $0x0;
	s5 =	sld [smem:$0x3FB1]  }
0x2b: {  	s6 =	sld [smem:$0x3FB2]  }
0x2c: {  	s7 =	sld [smem:$0x3FB3]  }
0x2d: {  	s3 =	simm.s32 $0x108;
	s8 =	sld [smem:$0x3FB4]  }
0x2e: {  	s3 =	simm.s32 @!p0 $0x1082;
	s9 =	sld [smem:$0x3FB5]  }
0x2f: {  	lr =	sadd.s32 s0, s3;
	s0 =	sld [smem:$0x3FAC]  }
0x30: {  	s3 =	sld [smem:$0x3FAF]  }
0x31: {  	[smem:$0x3FB8] =	sst s10  }
0x32: {  	s10 =	sld [smem:$0x3FB6];
	_ =	sdelay $0x3  }
0x33: {  	p0 =	seq.s32 s10, $0x1;
	s10 =	sld [smem:$0x3FB8];
	_ =	sdelay $0x3  }
0x34: {  	[smem:$0x3FB8] =	sst s10  }
0x35: {  	s10 =	sld [smem:$0x3FB7];
	_ =	sdelay $0x3  }
0x36: {  	p1 =	seq.s32 s10, $0x1;
	s10 =	sld [smem:$0x3FB8];
	_ =	sdelay $0x3  }
0x37: {  	[smem:$0x3FB8] =	sst s10  }
0x38: {  	s10 =	sld [smem:$0x3FB9]  }
0x39: {  	_ = 	snop;
	(pc) =	sbr.ind lr, $3  }
0x3a: {  	_ = 	snop  }
0x3b: {  	_ = 	snop  }
0x3c: {  	p2 =	seq.s32 s10, $0x1;
	s10 =	sld [smem:$0x3FB8]  }
0x3d: {  	_ =	shalt  }
0x3e: {  	_ =	shalt  }
0x3f: {  	_ =	shalt  }
0x40: {  	_ =	shalt  }
0x41: {  	_ =	shalt  }
0x42: {  	_ =	shalt  }
0x43: {  	_ =	shalt  }
0x44: {  	_ =	shalt  }
0x45: {  	_ =	shalt  }
0x46: {  	_ =	shalt  }
0x47: {  	_ =	shalt  }
0x48: {  	_ =	shalt  }
0x49: {  	_ =	shalt  }
0x4a: {  	_ =	shalt  }
0x4b: {  	_ =	shalt  }
0x4c: {  	_ =	shalt  }
0x4d: {  	_ =	shalt  }
0x4e: {  	_ =	shalt  }
0x4f: {  	_ =	shalt  }
0x50: {  	_ =	shalt  }
0x51: {  	_ =	shalt  }
0x52: {  	_ =	shalt  }
0x53: {  	_ =	shalt  }
0x54: {  	_ =	shalt  }
0x55: {  	_ =	shalt  }
0x56: {  	_ =	shalt  }
0x57: {  	_ =	shalt  }
0x58: {  	_ =	shalt  }
0x59: {  	_ =	shalt  }
0x5a: {  	_ =	shalt  }
0x5b: {  	_ =	shalt  }
0x5c: {  	_ =	shalt  }
0x5d: {  	_ =	shalt  }
0x5e: {  	_ =	shalt  }
0x5f: {  	_ =	shalt  }
0x60: {  	_ =	shalt  }
0x61: {  	_ =	shalt  }
0x62: {  	_ =	shalt  }
0x63: {  	_ =	shalt  }
0x64: {  	_ =	shalt  }
0x65: {  	_ =	shalt  }
0x66: {  	_ =	shalt  }
0x67: {  	_ =	shalt  }
0x68: {  	_ =	shalt  }
0x69: {  	_ =	shalt  }
0x6a: {  	_ =	shalt  }
0x6b: {  	_ =	shalt  }
0x6c: {  	_ =	shalt  }
0x6d: {  	_ =	shalt  }
0x6e: {  	_ =	shalt  }
0x6f: {  	_ =	shalt  }
0x70: {  	_ =	shalt  }
0x71: {  	_ =	shalt  }
0x72: {  	_ =	shalt  }
0x73: {  	_ =	shalt  }
0x74: {  	_ =	shalt  }
0x75: {  	_ =	shalt  }
0x76: {  	_ =	shalt  }
0x77: {  	_ =	shalt  }
0x78: {  	_ =	shalt  }
0x79: {  	_ =	shalt  }
0x7a: {  	_ =	shalt  }
0x7b: {  	_ =	shalt  }
0x7c: {  	_ =	shalt  }
0x7d: {  	_ =	shalt  }
0x7e: {  	_ =	shalt  }
0x7f: {  	_ =	shalt  }
0x80: {  	_ =	shalt  }
0x81: {  	_ =	shalt  }
0x82: {  	_ =	shalt  }
0x83: {  	_ =	shalt  }
0x84: {  	_ =	shalt  }
0x85: {  	_ =	shalt  }
0x86: {  	_ =	shalt  }
0x87: {  	_ =	shalt  }
.Lfunc_end0:
.L_simem_size_0:
called_computation_lowered:
.L_overlay_start_0:
0x88: {  	s2 =	sld [smem:$0x3FD9]  }
0x89: {  	s3 =	sld [smem:$0x3FFE];
	_ =	sdelay $0x1  }
0x8a: {  	s1 =	srdreg.scid  }
0x8b: {  	s0 =	sand.u32 $0x1, s1  }
0x8c: {  	s17 =	sshll.u32 s0, $0xA;
	s2 =	sadd.s32 s3, s2  }
0x8d: {  	s2 =	sadd.s32 s2, s17  }
0x8e: {  	[smem:$0x3FC4] =	sst s2  }
0x8f: {  	_ = 	snop  }
0x90: {  	s2 =	sld [smem:$0x3FC9]  }
0x91: {  	s18 =	sld [smem:$0x3FC8]  }
0x92: {  	s4 =	sld [smem:$0x3FD0];
	(tm) =	ssettm $0x1  }
0x93: {  	s5 =	sld [smem:$0x3FFB];
	_ =	sdelay $0x3  }
0x94: {  	_ =	strace s5  }
0x95: {  	s5 =	sld [smem:$0x3FFC];
	_ =	sdelay $0x3  }
0x96: {  	_ =	strace s5  }
0x97: {  	s5 =	sld [smem:$0x3FFD];
	_ =	sdelay $0x3  }
0x98: {  	_ =	strace s5  }
0x99: {  	_ =	strace $0x8FFFFFFF  }
0x9a: {  	s19 =	sld [smem:$0x3FDB];
	_ =	sdelay $0x1  }
0x9b: {  	s6 =	simm.s32 $_scs_section_size  }
0x9c: {  	s7 =	simm.s32 $_size__tile_overlayer_lowered;
	s8 =	simm.s32 $_tile_overlayer_lowered  }
0x9d: {  	s22 =	simm.s32 $0x1BFF;
	s21 =	sshll.u32 s8, $0x1;
	s5 =	sadd.s32 s6, s19  }
0x9e: {  	s9 =	simm.s32 $0x0;
	s20 =	sshll.u32 s7, $0x1;
	s7 =	sadd.s32 s21, s5  }
0x9f: {  	[timem:s9], [sflag:s22] =	dma.local [hbm:s7], s20  }
0xa0: {  	_ =	swait.ge [sflag:s22], s20  }
0xa1: {  	s6 =	ssub.s32 $0x0, s20;
	[sflag:s22] =	ssyncset.done $0x0  }
0xa2: {  	[sflag:s22] =	ssyncadd.s32 s6;
	_ =	sdelay $0x1  }
0xa3: {  	s23 =	simm.s32 $0x1B8B  }
0xa4: {  	_ =	swait.ge [sflag:s23], $0x1  }
0xa5: {  	[sflag:s23] =	ssyncset.done $0x0  }
0xa6: {  	s25 =	simm.s32 $0x1B8E;
	s24 =	sld [smem:$0x3FFE];
	[sflag:s23] =	ssyncadd.s32 $0xFFFFFFFF  }
0xa7: {  	s26 =	simm.s32 $execute0_lowered;
	[smem:$0x3FD2] =	sst s25  }
0xa8: {  	s7 =	sshll.u32 s26, $0x1;
	_ =	strace $0x80000046;
	[dreg:$0x1] =	wrdreg $0xFFFFFFFF  }
0xa9: {  	s28 =	simm.s32 $_size_execute0_lowered;
	s5 =	sadd.s32 s5, s7;
	[dreg:$0x0] =	wrdreg $0x0  }
0xaa: {  	s7 =	sshll.u32 s28, $0x1;
	[dreg:$0x2] =	wrdreg s5  }
0xab: {  	[dreg:$0x3] =	wrdreg s7  }
0xac: {  	[dreg:$0x4] =	wrdreg $0xC0  }
0xad: {  	_ =	task [dreg:s9], $0x5FFFF  }
0xae: {  	[dreg:$0x1] =	wrdreg $0xFFFFFFFF  }
0xaf: {  	[dreg:$0x0] =	wrdreg $0x60  }
0xb0: {  	[dreg:$0x2] =	wrdreg s2  }
0xb1: {  	[dreg:$0x3] =	wrdreg s18  }
0xb2: {  	[dreg:$0x4] =	wrdreg s24  }
0xb3: {  	[dreg:$0x5] =	wrdreg s4  }
0xb4: {  	[dreg:$0x6] =	wrdreg $0x9  }
0xb5: {  	_ =	task.clear_ibuf [dreg:s9], $0x7FFFF;
	_ =	strace $0x90000046  }
0xb6: {  	s29 =	simm.s32 $0x9;
	_ =	strace $0x80000048  }
0xb7: {  	_ =	swait.ge [sflag:s29], $0x1  }
0xb8: {  	[sflag:s29] =	ssyncadd.s32 $0xFFFFFFFF  }
0xb9: {  	_ =	strace $0x90000048  }
0xba: {  	_ =	sfence  }
0xbb: {  	s30 =	sld [smem:$0x0];
	_ =	sdelay $0x2  }
0xbc: {  	s31 =	sshll.u32 s1, $0xD;
	s1 =	sshrl.u32 s1, $0x2  }
0xbd: {  	s3 =	sand.u32 $0x4000, s31;
	s1 =	sadd.s32 s1, s30  }
0xbe: {  	s0 =	sor.u32 s3, s0;
	s1 =	sshll.u32 s1, $0x11  }
0xbf: {  	s0 =	sor.u32 s1, s0  }
0xc0: {  	s0 =	sadd.s32 $0x8F2B, s0  }
0xc1: {  	[sflag:s0] =	ssyncadd.remote.s32 $0x1  }
0xc2: {  	_ =	sfence.sel $0xFFFF  }
0xc3: {  	[dreg:$0x0] =	wrdreg $0xFFFFFFFF;
	(pc) =	sbr.abs _section_cstart, $3  }
0xc4: {  	[dreg:$0x1] =	wrdreg $0xFFFFFFFF  }
0xc5: {  	_ =	task.clear_ibuf [dreg:s9], $0x2FFFF;
	_ =	strace $0x9FFFFFFF  }
0xc6: {  	(tm) =	ssettm $0x7FFFFFFF  }
0xc7: {  	_ =	shalt  }
tec
execute0_lowered:
.L_overlay_start_1:
0x0: {  	(tag) =	ssettag $0x1  }
0x1: {  	s5 =	rddreg [dreg:$0x0]  }
0x2: {  	s6 =	rddreg [dreg:$0x1]  }
0x3: {  	s4 =	rddreg [dreg:$0x2]  }
0x4: {  	s7 =	rddreg [dreg:$0x3]  }
0x5: {  	s0 =	rddreg [dreg:$0x4]  }
0x6: {  	s2 =	simm.s32 $0x0;
	s3 =	srdreg.scid;
	s1 =	stileid.u32  }
0x7: {  	v0 =	vlaneseq.u32;
	s12 =	simm.s32 $0x8400;
	s13 =	simm.s32 $0x1;
	s14 =	simm.s32 $0x2  }
0x8: {  	s15 =	simm.s32 $0x10400;
	s16 =	simm.s32 $0x10500;
	s17 =	simm.s32 $0x0;
	v0 =	vmul.u32 $0x10, v0  }
0x9: {  	[smem:$0x7FF] =	sst s2;
	s3 =	sand.u32 $0x1, s3;
	s9 =	sshll.u32 s1, $0x7  }
0xa: {  	_ =	strace $0x80000047;
	s8 =	ssub.s32 $0x2, s3;
	s10 =	sshll.u32 s3, $0x6;
	v1 =	vor.u32 $0x1, v0;
	v2 =	vor.u32 $0x2, v0;
	v3 =	vor.u32 $0x3, v0  }
0xb: {  	s3 =	sadd.s32 $0xF42A00, s4;
	s4 =	sadd.s32 $0x187000, s4;
	s11 =	sshrl.u32 s8, $0x1;
	v4 =	vor.u32 $0x4, v0;
	v5 =	vor.u32 $0x5, v0;
	v6 =	vor.u32 $0x6, v0  }
0xc: {  	s9 =	sor.u32 s10, s9;
	s10 =	simm.s32 $0x200;
	v7 =	vor.u32 $0x7, v0;
	v8 =	vor.u32 $0x8, v0;
	v9 =	vor.u32 $0x9, v0;
	s8 =	ssub.s32 s8, s11  }
0xd: {  	v10 =	vor.u32 $0xA, v0;
	v11 =	vor.u32 $0xB, v0;
	v12 =	vor.u32 $0xC, v0;
	s5 =	sadd.s32 s5, s9;
	s6 =	sadd.s32 s6, s9;
	s7 =	sadd.s32 s7, s9  }
0xe: {  	v13 =	vor.u32 $0xD, v0;
	v14 =	vor.u32 $0xE, v0;
	v15 =	vor.u32 $0xF, v0;
	s9 =	simm.s32 $0x3;
	s11 =	simm.s32 $0x400;
	s8 =	smax.u32 s8, $0x1  }
.LBB2_1:
0xf: {  	[tilespmem:s2], [sflag:$0x3] =	stream.linear.gather [hbm4b:s5+s2], $0x200, $0x38;
	[tilespmem:$0x10700] =	vst v63  }
0x10: {  	_ =	swait.ge [sflag:s9], $0x200  }
0x11: {  	[sflag:s9] =	ssyncset.done $0x0  }
0x12: {  	[sflag:s9] =	ssyncadd.s32 $0xFFFFFE00  }
0x13: {  	[tilespmem:s10], [sflag:$0x3] =	stream.linear.gather [hbm4b:s6+s2], $0x200, $0x38;
	[tilespmem:$0x10700] =	vst v63  }
0x14: {  	_ =	swait.ge [sflag:s9], $0x200  }
0x15: {  	[sflag:s9] =	ssyncset.done $0x0  }
0x16: {  	[sflag:s9] =	ssyncadd.s32 $0xFFFFFE00  }
0x17: {  	[tilespmem:s11], [sflag:$0x1] =	stream.indirect.gather [hbm4b:s3+s10], $0x40, s2, s10, $0xb8;
	[tilespmem:$0x10700] =	vst v63  }
0x18: {  	_ = 	snop  }
0x19: {  	[tilespmem:s12], [sflag:$0x2] =	stream.indirect.gather [hbm4b:s4+s10], $0x40, s10, s10, $0xb8;
	[tilespmem:$0x10700] =	vst v63  }
0x1a: {  	_ =	swait.ge [sflag:s13], $0x8000  }
0x1b: {  	[sflag:s13] =	ssyncset.done $0x0  }
0x1c: {  	[sflag:s13] =	ssyncadd.s32 $0xFFFF8000  }
0x1d: {  	_ =	swait.ge [sflag:s14], $0x8000  }
0x1e: {  	[sflag:s14] =	ssyncset.done $0x0  }
0x1f: {  	s18 =	simm.s32 $0x0;
	[sflag:s14] =	ssyncadd.s32 $0xFFFF8000  }
0x20: {  	v16 =	vld [tilespmem:s18+$0x8410]  }
0x21: {  	v17 =	vld [tilespmem:s18+$0x400]  }
0x22: {  	v18 =	vld [tilespmem:s18+$0x410]  }
0x23: {  	v19 =	vld [tilespmem:s18+$0x8400]  }
0x24: {  	v20 =	vld [tilespmem:s18+$0x8420]  }
0x25: {  	v21 =	vld [tilespmem:s18+$0x420]  }
0x26: {  	v22 =	vld [tilespmem:s18+$0x8430]  }
0x27: {  	v23 =	vld [tilespmem:s18+$0x430]  }
0x28: {  	v16 =	vmul.f32 v16, v18;
	v17 =	vmul.f32 v19, v17;
	_ =	sdelay $0x1  }
0x29: {  	v16 =	vadd.f32 v16, v17;
	v17 =	vmul.f32 v20, v21;
	_ =	sdelay $0x1  }
0x2a: {  	v16 =	vadd.f32 v17, v16;
	v17 =	vmul.f32 v22, v23;
	_ =	sdelay $0x1  }
0x2b: {  	v16 =	vadd.f32 v17, v16;
	_ =	sdelay $0x1  }
0x2c: {  	[tilespmem:v0+s15+$0x0] =	vst.idx.msk $0xffff, v16  }
0x2d: {  	v16 =	vld [tilespmem:s18+$0x440]  }
0x2e: {  	v17 =	vld [tilespmem:s18+$0x8440]  }
0x2f: {  	v18 =	vld [tilespmem:s18+$0x450]  }
0x30: {  	v19 =	vld [tilespmem:s18+$0x8450]  }
0x31: {  	v20 =	vld [tilespmem:s18+$0x8460]  }
0x32: {  	v62 =	vld [tilespmem:s18+$0x460]  }
0x33: {  	v63 =	vld [tilespmem:s18+$0x8470]  }
0x34: {  	v24 =	vld [tilespmem:s18+$0x470]  }
0x35: {  	v16 =	vmul.f32 v17, v16;
	v17 =	vmul.f32 v19, v18;
	_ =	sdelay $0x1  }
0x36: {  	v16 =	vadd.f32 v17, v16;
	v17 =	vmul.f32 v20, v62;
	_ =	sdelay $0x1  }
0x37: {  	v16 =	vadd.f32 v17, v16;
	v17 =	vmul.f32 v63, v24;
	_ =	sdelay $0x1  }
0x38: {  	v16 =	vadd.f32 v17, v16;
	_ =	sdelay $0x1  }
0x39: {  	[tilespmem:v1+s15+$0x0] =	vst.idx.msk $0xffff, v16  }
0x3a: {  	v16 =	vld [tilespmem:s18+$0x8490]  }
0x3b: {  	v17 =	vld [tilespmem:s18+$0x480]  }
0x3c: {  	v18 =	vld [tilespmem:s18+$0x8480]  }
0x3d: {  	v19 =	vld [tilespmem:s18+$0x490]  }
0x3e: {  	v20 =	vld [tilespmem:s18+$0x84A0]  }
0x3f: {  	v25 =	vld [tilespmem:s18+$0x4A0]  }
0x40: {  	v26 =	vld [tilespmem:s18+$0x84B0]  }
0x41: {  	v27 =	vld [tilespmem:s18+$0x4B0]  }
0x42: {  	v17 =	vmul.f32 v18, v17;
	v16 =	vmul.f32 v16, v19;
	_ =	sdelay $0x1  }
0x43: {  	v16 =	vadd.f32 v16, v17;
	v17 =	vmul.f32 v20, v25;
	_ =	sdelay $0x1  }
0x44: {  	v16 =	vadd.f32 v17, v16;
	v17 =	vmul.f32 v26, v27;
	_ =	sdelay $0x1  }
0x45: {  	v16 =	vadd.f32 v17, v16;
	_ =	sdelay $0x1  }
0x46: {  	[tilespmem:v2+s15+$0x0] =	vst.idx.msk $0xffff, v16  }
0x47: {  	v16 =	vld [tilespmem:s18+$0x84D0]  }
0x48: {  	v17 =	vld [tilespmem:s18+$0x4C0]  }
0x49: {  	v18 =	vld [tilespmem:s18+$0x84C0]  }
0x4a: {  	v19 =	vld [tilespmem:s18+$0x4D0]  }
0x4b: {  	v20 =	vld [tilespmem:s18+$0x4E0]  }
0x4c: {  	v28 =	vld [tilespmem:s18+$0x84E0]  }
0x4d: {  	v29 =	vld [tilespmem:s18+$0x84F0]  }
0x4e: {  	v30 =	vld [tilespmem:s18+$0x4F0]  }
0x4f: {  	v17 =	vmul.f32 v18, v17;
	v16 =	vmul.f32 v16, v19;
	_ =	sdelay $0x1  }
0x50: {  	v16 =	vadd.f32 v16, v17;
	v17 =	vmul.f32 v28, v20;
	_ =	sdelay $0x1  }
0x51: {  	v16 =	vadd.f32 v17, v16;
	v17 =	vmul.f32 v29, v30;
	_ =	sdelay $0x1  }
0x52: {  	v16 =	vadd.f32 v17, v16;
	_ =	sdelay $0x1  }
0x53: {  	[tilespmem:v3+s15+$0x0] =	vst.idx.msk $0xffff, v16  }
0x54: {  	v16 =	vld [tilespmem:s18+$0x8500]  }
0x55: {  	v17 =	vld [tilespmem:s18+$0x8510]  }
0x56: {  	v18 =	vld [tilespmem:s18+$0x500]  }
0x57: {  	v19 =	vld [tilespmem:s18+$0x510]  }
0x58: {  	v20 =	vld [tilespmem:s18+$0x520]  }
0x59: {  	v31 =	vld [tilespmem:s18+$0x8520]  }
0x5a: {  	v32 =	vld [tilespmem:s18+$0x8530]  }
0x5b: {  	v33 =	vld [tilespmem:s18+$0x530]  }
0x5c: {  	v16 =	vmul.f32 v16, v18;
	v17 =	vmul.f32 v17, v19;
	_ =	sdelay $0x1  }
0x5d: {  	v16 =	vadd.f32 v17, v16;
	v17 =	vmul.f32 v31, v20;
	_ =	sdelay $0x1  }
0x5e: {  	v16 =	vadd.f32 v17, v16;
	v17 =	vmul.f32 v32, v33;
	_ =	sdelay $0x1  }
0x5f: {  	v16 =	vadd.f32 v17, v16;
	_ =	sdelay $0x1  }
0x60: {  	[tilespmem:v4+s15+$0x0] =	vst.idx.msk $0xffff, v16  }
0x61: {  	v16 =	vld [tilespmem:s18+$0x8540]  }
0x62: {  	v17 =	vld [tilespmem:s18+$0x8550]  }
0x63: {  	v18 =	vld [tilespmem:s18+$0x540]  }
0x64: {  	v19 =	vld [tilespmem:s18+$0x550]  }
0x65: {  	v20 =	vld [tilespmem:s18+$0x560]  }
0x66: {  	v34 =	vld [tilespmem:s18+$0x8560]  }
0x67: {  	v35 =	vld [tilespmem:s18+$0x8570]  }
0x68: {  	v36 =	vld [tilespmem:s18+$0x570]  }
0x69: {  	v16 =	vmul.f32 v16, v18;
	v17 =	vmul.f32 v17, v19;
	_ =	sdelay $0x1  }
0x6a: {  	v16 =	vadd.f32 v17, v16;
	v17 =	vmul.f32 v34, v20;
	_ =	sdelay $0x1  }
0x6b: {  	v16 =	vadd.f32 v17, v16;
	v17 =	vmul.f32 v35, v36;
	_ =	sdelay $0x1  }
0x6c: {  	v16 =	vadd.f32 v17, v16;
	_ =	sdelay $0x1  }
0x6d: {  	[tilespmem:v5+s15+$0x0] =	vst.idx.msk $0xffff, v16  }
0x6e: {  	v16 =	vld [tilespmem:s18+$0x8580]  }
0x6f: {  	v17 =	vld [tilespmem:s18+$0x8590]  }
0x70: {  	v18 =	vld [tilespmem:s18+$0x590]  }
0x71: {  	v19 =	vld [tilespmem:s18+$0x580]  }
0x72: {  	v20 =	vld [tilespmem:s18+$0x85A0]  }
0x73: {  	v37 =	vld [tilespmem:s18+$0x5A0]  }
0x74: {  	v38 =	vld [tilespmem:s18+$0x85B0]  }
0x75: {  	v39 =	vld [tilespmem:s18+$0x5B0]  }
0x76: {  	v17 =	vmul.f32 v17, v18;
	v16 =	vmul.f32 v16, v19;
	_ =	sdelay $0x1  }
0x77: {  	v16 =	vadd.f32 v17, v16;
	v17 =	vmul.f32 v20, v37;
	_ =	sdelay $0x1  }
0x78: {  	v16 =	vadd.f32 v17, v16;
	v17 =	vmul.f32 v38, v39;
	_ =	sdelay $0x1  }
0x79: {  	v16 =	vadd.f32 v17, v16;
	_ =	sdelay $0x1  }
0x7a: {  	[tilespmem:v6+s15+$0x0] =	vst.idx.msk $0xffff, v16  }
0x7b: {  	v16 =	vld [tilespmem:s18+$0x5C0]  }
0x7c: {  	v17 =	vld [tilespmem:s18+$0x85C0]  }
0x7d: {  	v18 =	vld [tilespmem:s18+$0x85D0]  }
0x7e: {  	v19 =	vld [tilespmem:s18+$0x5D0]  }
0x7f: {  	v20 =	vld [tilespmem:s18+$0x85E0]  }
0x80: {  	v40 =	vld [tilespmem:s18+$0x5E0]  }
0x81: {  	v41 =	vld [tilespmem:s18+$0x85F0]  }
0x82: {  	v42 =	vld [tilespmem:s18+$0x5F0]  }
0x83: {  	v16 =	vmul.f32 v17, v16;
	v17 =	vmul.f32 v18, v19;
	_ =	sdelay $0x1  }
0x84: {  	v16 =	vadd.f32 v17, v16;
	v17 =	vmul.f32 v20, v40;
	_ =	sdelay $0x1  }
0x85: {  	v16 =	vadd.f32 v17, v16;
	v17 =	vmul.f32 v41, v42;
	_ =	sdelay $0x1  }
0x86: {  	v16 =	vadd.f32 v17, v16;
	_ =	sdelay $0x1  }
0x87: {  	[tilespmem:v7+s15+$0x0] =	vst.idx.msk $0xffff, v16  }
0x88: {  	v16 =	vld [tilespmem:s18+$0x8600]  }
0x89: {  	v17 =	vld [tilespmem:s18+$0x8610]  }
0x8a: {  	v18 =	vld [tilespmem:s18+$0x600]  }
0x8b: {  	v19 =	vld [tilespmem:s18+$0x610]  }
0x8c: {  	v20 =	vld [tilespmem:s18+$0x8620]  }
0x8d: {  	v43 =	vld [tilespmem:s18+$0x620]  }
0x8e: {  	v44 =	vld [tilespmem:s18+$0x8630]  }
0x8f: {  	v45 =	vld [tilespmem:s18+$0x630]  }
0x90: {  	v16 =	vmul.f32 v16, v18;
	v17 =	vmul.f32 v17, v19;
	_ =	sdelay $0x1  }
0x91: {  	v16 =	vadd.f32 v17, v16;
	v17 =	vmul.f32 v20, v43;
	_ =	sdelay $0x1  }
0x92: {  	v16 =	vadd.f32 v17, v16;
	v17 =	vmul.f32 v44, v45;
	_ =	sdelay $0x1  }
0x93: {  	v16 =	vadd.f32 v17, v16;
	_ =	sdelay $0x1  }
0x94: {  	[tilespmem:v8+s15+$0x0] =	vst.idx.msk $0xffff, v16  }
0x95: {  	v16 =	vld [tilespmem:s18+$0x8640]  }
0x96: {  	v17 =	vld [tilespmem:s18+$0x8650]  }
0x97: {  	v18 =	vld [tilespmem:s18+$0x650]  }
0x98: {  	v19 =	vld [tilespmem:s18+$0x640]  }
0x99: {  	v20 =	vld [tilespmem:s18+$0x660]  }
0x9a: {  	v46 =	vld [tilespmem:s18+$0x8660]  }
0x9b: {  	v47 =	vld [tilespmem:s18+$0x670]  }
0x9c: {  	v48 =	vld [tilespmem:s18+$0x8670]  }
0x9d: {  	v17 =	vmul.f32 v17, v18;
	v16 =	vmul.f32 v16, v19;
	_ =	sdelay $0x1  }
0x9e: {  	v16 =	vadd.f32 v17, v16;
	v17 =	vmul.f32 v46, v20;
	_ =	sdelay $0x1  }
0x9f: {  	v16 =	vadd.f32 v17, v16;
	v17 =	vmul.f32 v48, v47;
	_ =	sdelay $0x1  }
0xa0: {  	v16 =	vadd.f32 v17, v16;
	_ =	sdelay $0x1  }
0xa1: {  	[tilespmem:v9+s15+$0x0] =	vst.idx.msk $0xffff, v16  }
0xa2: {  	v16 =	vld [tilespmem:s18+$0x8690]  }
0xa3: {  	v17 =	vld [tilespmem:s18+$0x8680]  }
0xa4: {  	v18 =	vld [tilespmem:s18+$0x680]  }
0xa5: {  	v19 =	vld [tilespmem:s18+$0x690]  }
0xa6: {  	v20 =	vld [tilespmem:s18+$0x6A0]  }
0xa7: {  	v49 =	vld [tilespmem:s18+$0x86A0]  }
0xa8: {  	v50 =	vld [tilespmem:s18+$0x6B0]  }
0xa9: {  	v51 =	vld [tilespmem:s18+$0x86B0]  }
0xaa: {  	v17 =	vmul.f32 v17, v18;
	v16 =	vmul.f32 v16, v19;
	_ =	sdelay $0x1  }
0xab: {  	v16 =	vadd.f32 v16, v17;
	v17 =	vmul.f32 v49, v20;
	_ =	sdelay $0x1  }
0xac: {  	v16 =	vadd.f32 v17, v16;
	v17 =	vmul.f32 v51, v50;
	_ =	sdelay $0x1  }
0xad: {  	v16 =	vadd.f32 v17, v16;
	_ =	sdelay $0x1  }
0xae: {  	[tilespmem:v10+s15+$0x0] =	vst.idx.msk $0xffff, v16  }
0xaf: {  	v16 =	vld [tilespmem:s18+$0x86C0]  }
0xb0: {  	v17 =	vld [tilespmem:s18+$0x86D0]  }
0xb1: {  	v18 =	vld [tilespmem:s18+$0x6C0]  }
0xb2: {  	v19 =	vld [tilespmem:s18+$0x6D0]  }
0xb3: {  	v20 =	vld [tilespmem:s18+$0x6E0]  }
0xb4: {  	v52 =	vld [tilespmem:s18+$0x86E0]  }
0xb5: {  	v53 =	vld [tilespmem:s18+$0x6F0]  }
0xb6: {  	v54 =	vld [tilespmem:s18+$0x86F0]  }
0xb7: {  	v16 =	vmul.f32 v16, v18;
	v17 =	vmul.f32 v17, v19;
	_ =	sdelay $0x1  }
0xb8: {  	v16 =	vadd.f32 v17, v16;
	v17 =	vmul.f32 v52, v20;
	_ =	sdelay $0x1  }
0xb9: {  	v16 =	vadd.f32 v17, v16;
	v17 =	vmul.f32 v54, v53;
	_ =	sdelay $0x1  }
0xba: {  	v16 =	vadd.f32 v17, v16;
	_ =	sdelay $0x1  }
0xbb: {  	[tilespmem:v11+s15+$0x0] =	vst.idx.msk $0xffff, v16  }
0xbc: {  	v16 =	vld [tilespmem:s18+$0x8700]  }
0xbd: {  	v17 =	vld [tilespmem:s18+$0x8710]  }
0xbe: {  	v18 =	vld [tilespmem:s18+$0x700]  }
0xbf: {  	v19 =	vld [tilespmem:s18+$0x710]  }
0xc0: {  	v20 =	vld [tilespmem:s18+$0x720]  }
0xc1: {  	v55 =	vld [tilespmem:s18+$0x8720]  }
0xc2: {  	v56 =	vld [tilespmem:s18+$0x730]  }
0xc3: {  	v57 =	vld [tilespmem:s18+$0x8730]  }
0xc4: {  	v16 =	vmul.f32 v16, v18;
	v17 =	vmul.f32 v17, v19;
	_ =	sdelay $0x1  }
0xc5: {  	v16 =	vadd.f32 v17, v16;
	v17 =	vmul.f32 v55, v20;
	_ =	sdelay $0x1  }
0xc6: {  	v16 =	vadd.f32 v17, v16;
	v17 =	vmul.f32 v57, v56;
	_ =	sdelay $0x1  }
0xc7: {  	v16 =	vadd.f32 v17, v16;
	_ =	sdelay $0x1  }
0xc8: {  	[tilespmem:v12+s15+$0x0] =	vst.idx.msk $0xffff, v16  }
0xc9: {  	v16 =	vld [tilespmem:s18+$0x8740]  }
0xca: {  	v17 =	vld [tilespmem:s18+$0x8750]  }
0xcb: {  	v18 =	vld [tilespmem:s18+$0x740]  }
0xcc: {  	v19 =	vld [tilespmem:s18+$0x750]  }
0xcd: {  	v20 =	vld [tilespmem:s18+$0x760]  }
0xce: {  	v58 =	vld [tilespmem:s18+$0x8760]  }
0xcf: {  	v59 =	vld [tilespmem:s18+$0x770]  }
0xd0: {  	v60 =	vld [tilespmem:s18+$0x8770]  }
0xd1: {  	v16 =	vmul.f32 v16, v18;
	v17 =	vmul.f32 v17, v19;
	_ =	sdelay $0x1  }
0xd2: {  	v16 =	vadd.f32 v17, v16;
	v17 =	vmul.f32 v58, v20;
	_ =	sdelay $0x1  }
0xd3: {  	v16 =	vadd.f32 v17, v16;
	v17 =	vmul.f32 v60, v59;
	_ =	sdelay $0x1  }
0xd4: {  	v16 =	vadd.f32 v17, v16;
	_ =	sdelay $0x1  }
0xd5: {  	[tilespmem:v13+s15+$0x0] =	vst.idx.msk $0xffff, v16  }
0xd6: {  	v16 =	vld [tilespmem:s18+$0x8780]  }
0xd7: {  	v17 =	vld [tilespmem:s18+$0x8790]  }
0xd8: {  	v18 =	vld [tilespmem:s18+$0x780]  }
0xd9: {  	v19 =	vld [tilespmem:s18+$0x790]  }
0xda: {  	v20 =	vld [tilespmem:s18+$0x7A0]  }
0xdb: {  	v61 =	vld [tilespmem:s18+$0x87A0]  }
0xdc: {  	v62 =	vld [tilespmem:s18+$0x7B0]  }
0xdd: {  	v63 =	vld [tilespmem:s18+$0x87B0]  }
0xde: {  	v16 =	vmul.f32 v16, v18;
	v17 =	vmul.f32 v17, v19;
	_ =	sdelay $0x1  }
0xdf: {  	v16 =	vadd.f32 v17, v16;
	v17 =	vmul.f32 v61, v20;
	_ =	sdelay $0x1  }
0xe0: {  	v16 =	vadd.f32 v17, v16;
	v17 =	vmul.f32 v63, v62;
	_ =	sdelay $0x1  }
0xe1: {  	v16 =	vadd.f32 v17, v16;
	_ =	sdelay $0x1  }
0xe2: {  	[tilespmem:v14+s15+$0x0] =	vst.idx.msk $0xffff, v16  }
0xe3: {  	v16 =	vld [tilespmem:s18+$0x87C0]  }
0xe4: {  	v18 =	vld [tilespmem:s18+$0x7C0]  }
0xe5: {  	v17 =	vld [tilespmem:s18+$0x87D0]  }
0xe6: {  	s20 =	simm.s32 $0x1000;
	s21 =	simm.s32 $0x10500;
	s19 =	simm.s32 $0x10500;
	v19 =	vld [tilespmem:s18+$0x7D0]  }
.LBB2_2:
0xe7: {  	p0 =	sne.s32 s20, $0x1F000  }
0xe8: {  	v20 =	vld [tilespmem:s18+$0x7E0];
	s21 =	sadd.s32 $0x10, s21;
	s22 =	smov.u32 s20;
	s20 =	sadd.s32 $0x1000, s20  }
0xe9: {  	v21 =	vld [tilespmem:s18+$0x87E0]  }
0xea: {  	v16 =	vmul.f32 v16, v18;
	v18 =	vld [tilespmem:s18+$0x7F0]  }
0xeb: {  	v22 =	vld [tilespmem:s18+$0x87F0]  }
0xec: {  	v17 =	vmul.f32 v17, v19;
	_ =	sdelay $0x1  }
0xed: {  	v16 =	vadd.f32 v17, v16;
	v17 =	vmul.f32 v21, v20;
	_ =	sdelay $0x1  }
0xee: {  	v16 =	vadd.f32 v17, v16;
	v17 =	vmul.f32 v22, v18;
	_ =	sdelay $0x1  }
0xef: {  	v16 =	vadd.f32 v17, v16;
	_ =	sdelay $0x1  }
0xf0: {  	[tilespmem:v15+s15+$0x0] =	vst.idx.msk $0xffff, v16  }
0xf1: {  	v16 =	vld [tilespmem:$0x10400]  }
0xf2: {  	v17 =	vld [tilespmem:$0x10410]  }
0xf3: {  	v18 =	vld [tilespmem:$0x10420]  }
0xf4: {  	v19 =	vld [tilespmem:$0x10430]  }
0xf5: {  	v20 =	vld [tilespmem:$0x10440]  }
0xf6: {  	v21 =	vld [tilespmem:$0x10450]  }
0xf7: {  	v16 =	vadd.f32 v17, v16;
	v17 =	vld [tilespmem:$0x10460]  }
0xf8: {  	v22 =	vld [tilespmem:$0x10470]  }
0xf9: {  	v16 =	vadd.f32 v18, v16;
	v18 =	vld [tilespmem:$0x10480]  }
0xfa: {  	v23 =	vld [tilespmem:$0x10490]  }
0xfb: {  	v16 =	vadd.f32 v19, v16;
	v19 =	vld [tilespmem:$0x104A0]  }
0xfc: {  	v24 =	vld [tilespmem:$0x104B0]  }
0xfd: {  	v16 =	vadd.f32 v20, v16;
	v20 =	vld [tilespmem:$0x104C0]  }
0xfe: {  	v25 =	vld [tilespmem:$0x104D0]  }
0xff: {  	v16 =	vadd.f32 v21, v16;
	v21 =	vld [tilespmem:$0x104E0]  }
0x100: {  	v26 =	vld [tilespmem:$0x104F0]  }
0x101: {  	v16 =	vadd.f32 v17, v16;
	_ =	sdelay $0x1  }
0x102: {  	v16 =	vadd.f32 v22, v16;
	_ =	sdelay $0x1  }
0x103: {  	v16 =	vadd.f32 v18, v16;
	_ =	sdelay $0x1  }
0x104: {  	v16 =	vadd.f32 v23, v16;
	_ =	sdelay $0x1  }
0x105: {  	v16 =	vadd.f32 v19, v16;
	_ =	sdelay $0x1  }
0x106: {  	v16 =	vadd.f32 v24, v16;
	_ =	sdelay $0x1  }
0x107: {  	v16 =	vadd.f32 v20, v16;
	_ =	sdelay $0x1  }
0x108: {  	v16 =	vadd.f32 v25, v16;
	_ =	sdelay $0x1  }
0x109: {  	v16 =	vadd.f32 v21, v16;
	_ =	sdelay $0x1  }
0x10a: {  	v16 =	vadd.f32 v26, v16;
	_ =	sdelay $0x1  }
0x10b: {  	s18 =	sshra.s32 s22, $0x2;
	[tilespmem:s19+$0x0] =	vst v16;
	s19 =	smov.u32 s21  }
0x10c: {  	v16 =	vld [tilespmem:s18+$0x8410]  }
0x10d: {  	v17 =	vld [tilespmem:s18+$0x400]  }
0x10e: {  	v18 =	vld [tilespmem:s18+$0x410]  }
0x10f: {  	v19 =	vld [tilespmem:s18+$0x8400]  }
0x110: {  	v20 =	vld [tilespmem:s18+$0x8420]  }
0x111: {  	v21 =	vld [tilespmem:s18+$0x420]  }
0x112: {  	v22 =	vld [tilespmem:s18+$0x8430]  }
0x113: {  	v16 =	vmul.f32 v16, v18;
	v18 =	vld [tilespmem:s18+$0x430]  }
0x114: {  	v17 =	vmul.f32 v19, v17;
	_ =	sdelay $0x1  }
0x115: {  	v16 =	vadd.f32 v16, v17;
	v17 =	vmul.f32 v20, v21;
	_ =	sdelay $0x1  }
0x116: {  	v16 =	vadd.f32 v17, v16;
	v17 =	vmul.f32 v22, v18;
	_ =	sdelay $0x1  }
0x117: {  	v16 =	vadd.f32 v17, v16;
	_ =	sdelay $0x1  }
0x118: {  	[tilespmem:v0+s15+$0x0] =	vst.idx.msk $0xffff, v16  }
0x119: {  	v16 =	vld [tilespmem:s18+$0x440]  }
0x11a: {  	v17 =	vld [tilespmem:s18+$0x8440]  }
0x11b: {  	v18 =	vld [tilespmem:s18+$0x450]  }
0x11c: {  	v19 =	vld [tilespmem:s18+$0x8450]  }
0x11d: {  	v20 =	vld [tilespmem:s18+$0x8460]  }
0x11e: {  	v21 =	vld [tilespmem:s18+$0x460]  }
0x11f: {  	v16 =	vmul.f32 v17, v16;
	v17 =	vld [tilespmem:s18+$0x8470]  }
0x120: {  	v22 =	vld [tilespmem:s18+$0x470]  }
0x121: {  	v18 =	vmul.f32 v19, v18;
	_ =	sdelay $0x1  }
0x122: {  	v16 =	vadd.f32 v18, v16;
	v18 =	vmul.f32 v20, v21;
	_ =	sdelay $0x1  }
0x123: {  	v16 =	vadd.f32 v18, v16;
	v17 =	vmul.f32 v17, v22;
	_ =	sdelay $0x1  }
0x124: {  	v16 =	vadd.f32 v17, v16;
	_ =	sdelay $0x1  }
0x125: {  	[tilespmem:v1+s15+$0x0] =	vst.idx.msk $0xffff, v16  }
0x126: {  	v16 =	vld [tilespmem:s18+$0x8490]  }
0x127: {  	v17 =	vld [tilespmem:s18+$0x480]  }
0x128: {  	v18 =	vld [tilespmem:s18+$0x8480]  }
0x129: {  	v19 =	vld [tilespmem:s18+$0x490]  }
0x12a: {  	v20 =	vld [tilespmem:s18+$0x84A0]  }
0x12b: {  	v21 =	vld [tilespmem:s18+$0x4A0]  }
0x12c: {  	v22 =	vld [tilespmem:s18+$0x84B0]  }
0x12d: {  	v17 =	vmul.f32 v18, v17;
	v18 =	vld [tilespmem:s18+$0x4B0]  }
0x12e: {  	v16 =	vmul.f32 v16, v19;
	_ =	sdelay $0x1  }
0x12f: {  	v16 =	vadd.f32 v16, v17;
	v17 =	vmul.f32 v20, v21;
	_ =	sdelay $0x1  }
0x130: {  	v16 =	vadd.f32 v17, v16;
	v17 =	vmul.f32 v22, v18;
	_ =	sdelay $0x1  }
0x131: {  	v16 =	vadd.f32 v17, v16;
	_ =	sdelay $0x1  }
0x132: {  	[tilespmem:v2+s15+$0x0] =	vst.idx.msk $0xffff, v16  }
0x133: {  	v16 =	vld [tilespmem:s18+$0x84D0]  }
0x134: {  	v17 =	vld [tilespmem:s18+$0x4C0]  }
0x135: {  	v18 =	vld [tilespmem:s18+$0x84C0]  }
0x136: {  	v19 =	vld [tilespmem:s18+$0x4D0]  }
0x137: {  	v20 =	vld [tilespmem:s18+$0x4E0]  }
0x138: {  	v21 =	vld [tilespmem:s18+$0x84E0]  }
0x139: {  	v22 =	vld [tilespmem:s18+$0x84F0]  }
0x13a: {  	v17 =	vmul.f32 v18, v17;
	v18 =	vld [tilespmem:s18+$0x4F0]  }
0x13b: {  	v16 =	vmul.f32 v16, v19;
	_ =	sdelay $0x1  }
0x13c: {  	v16 =	vadd.f32 v16, v17;
	v17 =	vmul.f32 v21, v20;
	_ =	sdelay $0x1  }
0x13d: {  	v16 =	vadd.f32 v17, v16;
	v17 =	vmul.f32 v22, v18;
	_ =	sdelay $0x1  }
0x13e: {  	v16 =	vadd.f32 v17, v16;
	_ =	sdelay $0x1  }
0x13f: {  	[tilespmem:v3+s15+$0x0] =	vst.idx.msk $0xffff, v16  }
0x140: {  	v16 =	vld [tilespmem:s18+$0x8500]  }
0x141: {  	v17 =	vld [tilespmem:s18+$0x8510]  }
0x142: {  	v18 =	vld [tilespmem:s18+$0x500]  }
0x143: {  	v19 =	vld [tilespmem:s18+$0x510]  }
0x144: {  	v20 =	vld [tilespmem:s18+$0x520]  }
0x145: {  	v21 =	vld [tilespmem:s18+$0x8520]  }
0x146: {  	v22 =	vld [tilespmem:s18+$0x8530]  }
0x147: {  	v16 =	vmul.f32 v16, v18;
	v18 =	vld [tilespmem:s18+$0x530]  }
0x148: {  	v17 =	vmul.f32 v17, v19;
	_ =	sdelay $0x1  }
0x149: {  	v16 =	vadd.f32 v17, v16;
	v17 =	vmul.f32 v21, v20;
	_ =	sdelay $0x1  }
0x14a: {  	v16 =	vadd.f32 v17, v16;
	v17 =	vmul.f32 v22, v18;
	_ =	sdelay $0x1  }
0x14b: {  	v16 =	vadd.f32 v17, v16;
	_ =	sdelay $0x1  }
0x14c: {  	[tilespmem:v4+s15+$0x0] =	vst.idx.msk $0xffff, v16  }
0x14d: {  	v16 =	vld [tilespmem:s18+$0x8540]  }
0x14e: {  	v17 =	vld [tilespmem:s18+$0x8550]  }
0x14f: {  	v18 =	vld [tilespmem:s18+$0x540]  }
0x150: {  	v19 =	vld [tilespmem:s18+$0x550]  }
0x151: {  	v20 =	vld [tilespmem:s18+$0x560]  }
0x152: {  	v21 =	vld [tilespmem:s18+$0x8560]  }
0x153: {  	v22 =	vld [tilespmem:s18+$0x8570]  }
0x154: {  	v16 =	vmul.f32 v16, v18;
	v18 =	vld [tilespmem:s18+$0x570]  }
0x155: {  	v17 =	vmul.f32 v17, v19;
	_ =	sdelay $0x1  }
0x156: {  	v16 =	vadd.f32 v17, v16;
	v17 =	vmul.f32 v21, v20;
	_ =	sdelay $0x1  }
0x157: {  	v16 =	vadd.f32 v17, v16;
	v17 =	vmul.f32 v22, v18;
	_ =	sdelay $0x1  }
0x158: {  	v16 =	vadd.f32 v17, v16;
	_ =	sdelay $0x1  }
0x159: {  	[tilespmem:v5+s15+$0x0] =	vst.idx.msk $0xffff, v16  }
0x15a: {  	v16 =	vld [tilespmem:s18+$0x8580]  }
0x15b: {  	v17 =	vld [tilespmem:s18+$0x8590]  }
0x15c: {  	v18 =	vld [tilespmem:s18+$0x590]  }
0x15d: {  	v19 =	vld [tilespmem:s18+$0x580]  }
0x15e: {  	v20 =	vld [tilespmem:s18+$0x85A0]  }
0x15f: {  	v21 =	vld [tilespmem:s18+$0x5A0]  }
0x160: {  	v22 =	vld [tilespmem:s18+$0x85B0]  }
0x161: {  	v17 =	vmul.f32 v17, v18;
	v18 =	vld [tilespmem:s18+$0x5B0]  }
0x162: {  	v16 =	vmul.f32 v16, v19;
	_ =	sdelay $0x1  }
0x163: {  	v16 =	vadd.f32 v17, v16;
	v17 =	vmul.f32 v20, v21;
	_ =	sdelay $0x1  }
0x164: {  	v16 =	vadd.f32 v17, v16;
	v17 =	vmul.f32 v22, v18;
	_ =	sdelay $0x1  }
0x165: {  	v16 =	vadd.f32 v17, v16;
	_ =	sdelay $0x1  }
0x166: {  	[tilespmem:v6+s15+$0x0] =	vst.idx.msk $0xffff, v16  }
0x167: {  	v16 =	vld [tilespmem:s18+$0x5C0]  }
0x168: {  	v17 =	vld [tilespmem:s18+$0x85C0]  }
0x169: {  	v18 =	vld [tilespmem:s18+$0x85D0]  }
0x16a: {  	v19 =	vld [tilespmem:s18+$0x5D0]  }
0x16b: {  	v20 =	vld [tilespmem:s18+$0x85E0]  }
0x16c: {  	v21 =	vld [tilespmem:s18+$0x5E0]  }
0x16d: {  	v16 =	vmul.f32 v17, v16;
	v17 =	vld [tilespmem:s18+$0x85F0]  }
0x16e: {  	v22 =	vld [tilespmem:s18+$0x5F0]  }
0x16f: {  	v18 =	vmul.f32 v18, v19;
	_ =	sdelay $0x1  }
0x170: {  	v16 =	vadd.f32 v18, v16;
	v18 =	vmul.f32 v20, v21;
	_ =	sdelay $0x1  }
0x171: {  	v16 =	vadd.f32 v18, v16;
	v17 =	vmul.f32 v17, v22;
	_ =	sdelay $0x1  }
0x172: {  	v16 =	vadd.f32 v17, v16;
	_ =	sdelay $0x1  }
0x173: {  	[tilespmem:v7+s15+$0x0] =	vst.idx.msk $0xffff, v16  }
0x174: {  	v16 =	vld [tilespmem:s18+$0x8600]  }
0x175: {  	v17 =	vld [tilespmem:s18+$0x8610]  }
0x176: {  	v18 =	vld [tilespmem:s18+$0x600]  }
0x177: {  	v19 =	vld [tilespmem:s18+$0x610]  }
0x178: {  	v20 =	vld [tilespmem:s18+$0x8620]  }
0x179: {  	v21 =	vld [tilespmem:s18+$0x620]  }
0x17a: {  	v22 =	vld [tilespmem:s18+$0x8630]  }
0x17b: {  	v16 =	vmul.f32 v16, v18;
	v18 =	vld [tilespmem:s18+$0x630]  }
0x17c: {  	v17 =	vmul.f32 v17, v19;
	_ =	sdelay $0x1  }
0x17d: {  	v16 =	vadd.f32 v17, v16;
	v17 =	vmul.f32 v20, v21;
	_ =	sdelay $0x1  }
0x17e: {  	v16 =	vadd.f32 v17, v16;
	v17 =	vmul.f32 v22, v18;
	_ =	sdelay $0x1  }
0x17f: {  	v16 =	vadd.f32 v17, v16;
	_ =	sdelay $0x1  }
0x180: {  	[tilespmem:v8+s15+$0x0] =	vst.idx.msk $0xffff, v16  }
0x181: {  	v16 =	vld [tilespmem:s18+$0x8640]  }
0x182: {  	v17 =	vld [tilespmem:s18+$0x8650]  }
0x183: {  	v18 =	vld [tilespmem:s18+$0x650]  }
0x184: {  	v19 =	vld [tilespmem:s18+$0x640]  }
0x185: {  	v20 =	vld [tilespmem:s18+$0x660]  }
0x186: {  	v21 =	vld [tilespmem:s18+$0x8660]  }
0x187: {  	v22 =	vld [tilespmem:s18+$0x670]  }
0x188: {  	v17 =	vmul.f32 v17, v18;
	v18 =	vld [tilespmem:s18+$0x8670]  }
0x189: {  	v16 =	vmul.f32 v16, v19;
	_ =	sdelay $0x1  }
0x18a: {  	v16 =	vadd.f32 v17, v16;
	v17 =	vmul.f32 v21, v20;
	_ =	sdelay $0x1  }
0x18b: {  	v16 =	vadd.f32 v17, v16;
	v17 =	vmul.f32 v18, v22;
	_ =	sdelay $0x1  }
0x18c: {  	v16 =	vadd.f32 v17, v16;
	_ =	sdelay $0x1  }
0x18d: {  	[tilespmem:v9+s15+$0x0] =	vst.idx.msk $0xffff, v16  }
0x18e: {  	v16 =	vld [tilespmem:s18+$0x8690]  }
0x18f: {  	v17 =	vld [tilespmem:s18+$0x8680]  }
0x190: {  	v18 =	vld [tilespmem:s18+$0x680]  }
0x191: {  	v19 =	vld [tilespmem:s18+$0x690]  }
0x192: {  	v20 =	vld [tilespmem:s18+$0x6A0]  }
0x193: {  	v21 =	vld [tilespmem:s18+$0x86A0]  }
0x194: {  	v22 =	vld [tilespmem:s18+$0x6B0]  }
0x195: {  	v17 =	vmul.f32 v17, v18;
	v18 =	vld [tilespmem:s18+$0x86B0]  }
0x196: {  	v16 =	vmul.f32 v16, v19;
	_ =	sdelay $0x1  }
0x197: {  	v16 =	vadd.f32 v16, v17;
	v17 =	vmul.f32 v21, v20;
	_ =	sdelay $0x1  }
0x198: {  	v16 =	vadd.f32 v17, v16;
	v17 =	vmul.f32 v18, v22;
	_ =	sdelay $0x1  }
0x199: {  	v16 =	vadd.f32 v17, v16;
	_ =	sdelay $0x1  }
0x19a: {  	[tilespmem:v10+s15+$0x0] =	vst.idx.msk $0xffff, v16  }
0x19b: {  	v16 =	vld [tilespmem:s18+$0x86C0]  }
0x19c: {  	v17 =	vld [tilespmem:s18+$0x86D0]  }
0x19d: {  	v18 =	vld [tilespmem:s18+$0x6C0]  }
0x19e: {  	v19 =	vld [tilespmem:s18+$0x6D0]  }
0x19f: {  	v20 =	vld [tilespmem:s18+$0x6E0]  }
0x1a0: {  	v21 =	vld [tilespmem:s18+$0x86E0]  }
0x1a1: {  	v22 =	vld [tilespmem:s18+$0x6F0]  }
0x1a2: {  	v16 =	vmul.f32 v16, v18;
	v18 =	vld [tilespmem:s18+$0x86F0]  }
0x1a3: {  	v17 =	vmul.f32 v17, v19;
	_ =	sdelay $0x1  }
0x1a4: {  	v16 =	vadd.f32 v17, v16;
	v17 =	vmul.f32 v21, v20;
	_ =	sdelay $0x1  }
0x1a5: {  	v16 =	vadd.f32 v17, v16;
	v17 =	vmul.f32 v18, v22;
	_ =	sdelay $0x1  }
0x1a6: {  	v16 =	vadd.f32 v17, v16;
	_ =	sdelay $0x1  }
0x1a7: {  	[tilespmem:v11+s15+$0x0] =	vst.idx.msk $0xffff, v16  }
0x1a8: {  	v16 =	vld [tilespmem:s18+$0x8700]  }
0x1a9: {  	v17 =	vld [tilespmem:s18+$0x8710]  }
0x1aa: {  	v18 =	vld [tilespmem:s18+$0x700]  }
0x1ab: {  	v19 =	vld [tilespmem:s18+$0x710]  }
0x1ac: {  	v20 =	vld [tilespmem:s18+$0x720]  }
0x1ad: {  	v21 =	vld [tilespmem:s18+$0x8720]  }
0x1ae: {  	v22 =	vld [tilespmem:s18+$0x730]  }
0x1af: {  	v16 =	vmul.f32 v16, v18;
	v18 =	vld [tilespmem:s18+$0x8730]  }
0x1b0: {  	v17 =	vmul.f32 v17, v19;
	_ =	sdelay $0x1  }
0x1b1: {  	v16 =	vadd.f32 v17, v16;
	v17 =	vmul.f32 v21, v20;
	_ =	sdelay $0x1  }
0x1b2: {  	v16 =	vadd.f32 v17, v16;
	v17 =	vmul.f32 v18, v22;
	_ =	sdelay $0x1  }
0x1b3: {  	v16 =	vadd.f32 v17, v16;
	_ =	sdelay $0x1  }
0x1b4: {  	[tilespmem:v12+s15+$0x0] =	vst.idx.msk $0xffff, v16  }
0x1b5: {  	v16 =	vld [tilespmem:s18+$0x8740]  }
0x1b6: {  	v17 =	vld [tilespmem:s18+$0x8750]  }
0x1b7: {  	v18 =	vld [tilespmem:s18+$0x740]  }
0x1b8: {  	v19 =	vld [tilespmem:s18+$0x750]  }
0x1b9: {  	v20 =	vld [tilespmem:s18+$0x760]  }
0x1ba: {  	v21 =	vld [tilespmem:s18+$0x8760]  }
0x1bb: {  	v22 =	vld [tilespmem:s18+$0x770]  }
0x1bc: {  	v16 =	vmul.f32 v16, v18;
	v18 =	vld [tilespmem:s18+$0x8770]  }
0x1bd: {  	v17 =	vmul.f32 v17, v19;
	_ =	sdelay $0x1  }
0x1be: {  	v16 =	vadd.f32 v17, v16;
	v17 =	vmul.f32 v21, v20;
	_ =	sdelay $0x1  }
0x1bf: {  	v16 =	vadd.f32 v17, v16;
	v17 =	vmul.f32 v18, v22;
	_ =	sdelay $0x1  }
0x1c0: {  	v16 =	vadd.f32 v17, v16;
	_ =	sdelay $0x1  }
0x1c1: {  	[tilespmem:v13+s15+$0x0] =	vst.idx.msk $0xffff, v16  }
0x1c2: {  	v16 =	vld [tilespmem:s18+$0x8780]  }
0x1c3: {  	v17 =	vld [tilespmem:s18+$0x8790]  }
0x1c4: {  	v18 =	vld [tilespmem:s18+$0x780]  }
0x1c5: {  	v19 =	vld [tilespmem:s18+$0x790]  }
0x1c6: {  	v20 =	vld [tilespmem:s18+$0x7A0]  }
0x1c7: {  	v21 =	vld [tilespmem:s18+$0x87A0]  }
0x1c8: {  	v22 =	vld [tilespmem:s18+$0x7B0]  }
0x1c9: {  	v16 =	vmul.f32 v16, v18;
	v18 =	vld [tilespmem:s18+$0x87B0]  }
0x1ca: {  	v17 =	vmul.f32 v17, v19;
	_ =	sdelay $0x1  }
0x1cb: {  	v16 =	vadd.f32 v17, v16;
	v17 =	vmul.f32 v21, v20;
	_ =	sdelay $0x1  }
0x1cc: {  	v16 =	vadd.f32 v17, v16;
	v17 =	vmul.f32 v18, v22;
	_ =	sdelay $0x1  }
0x1cd: {  	v16 =	vadd.f32 v17, v16;
	_ =	sdelay $0x1  }
.Ltmp0:
0x1ce: {  	[tilespmem:v14+s15+$0x0] =	vst.idx.msk $0xffff, v16;
	(pc) =	sbr.rel @p0 .LBB2_2-.Ltmp0, $4  }
0x1cf: {  	v16 =	vld [tilespmem:s18+$0x87C0]  }
0x1d0: {  	v18 =	vld [tilespmem:s18+$0x7C0]  }
0x1d1: {  	v17 =	vld [tilespmem:s18+$0x87D0]  }
0x1d2: {  	v19 =	vld [tilespmem:s18+$0x7D0]  }
0x1d3: {  	v20 =	vld [tilespmem:s18+$0x7E0]  }
0x1d4: {  	v21 =	vld [tilespmem:s18+$0x87E0]  }
0x1d5: {  	v22 =	vld [tilespmem:s18+$0x7F0]  }
0x1d6: {  	v23 =	vld [tilespmem:s18+$0x87F0]  }
0x1d7: {  	v16 =	vmul.f32 v16, v18;
	v17 =	vmul.f32 v17, v19;
	_ =	sdelay $0x1  }
0x1d8: {  	v16 =	vadd.f32 v17, v16;
	v17 =	vmul.f32 v21, v20;
	_ =	sdelay $0x1  }
0x1d9: {  	v16 =	vadd.f32 v17, v16;
	v17 =	vmul.f32 v23, v22;
	_ =	sdelay $0x1  }
0x1da: {  	v16 =	vadd.f32 v17, v16;
	_ =	sdelay $0x1  }
0x1db: {  	[tilespmem:v15+s15+$0x0] =	vst.idx.msk $0xffff, v16  }
0x1dc: {  	v16 =	vld [tilespmem:$0x10400]  }
0x1dd: {  	v17 =	vld [tilespmem:$0x10410];
	_ =	sdelay $0x1  }
0x1de: {  	v54 =	vld [tilespmem:$0x10420];
	_ =	sdelay $0x1  }
0x1df: {  	v55 =	vld [tilespmem:$0x10430]  }
0x1e0: {  	v16 =	vadd.f32 v17, v16  }
0x1e1: {  	v17 =	vld [tilespmem:$0x10440]  }
0x1e2: {  	v16 =	vadd.f32 v54, v16  }
0x1e3: {  	v56 =	vld [tilespmem:$0x10450]  }
0x1e4: {  	v16 =	vadd.f32 v55, v16  }
0x1e5: {  	v57 =	vld [tilespmem:$0x10460]  }
0x1e6: {  	v16 =	vadd.f32 v17, v16  }
0x1e7: {  	v17 =	vld [tilespmem:$0x10470]  }
0x1e8: {  	v16 =	vadd.f32 v56, v16  }
0x1e9: {  	v58 =	vld [tilespmem:$0x10480]  }
0x1ea: {  	v16 =	vadd.f32 v57, v16  }
0x1eb: {  	v59 =	vld [tilespmem:$0x10490]  }
0x1ec: {  	v16 =	vadd.f32 v17, v16  }
0x1ed: {  	v17 =	vld [tilespmem:$0x104A0]  }
0x1ee: {  	v16 =	vadd.f32 v58, v16  }
0x1ef: {  	v60 =	vld [tilespmem:$0x104B0]  }
0x1f0: {  	v16 =	vadd.f32 v59, v16  }
0x1f1: {  	v61 =	vld [tilespmem:$0x104C0]  }
0x1f2: {  	v16 =	vadd.f32 v17, v16  }
0x1f3: {  	v17 =	vld [tilespmem:$0x104D0]  }
0x1f4: {  	v16 =	vadd.f32 v60, v16  }
0x1f5: {  	v62 =	vld [tilespmem:$0x104E0]  }
0x1f6: {  	v16 =	vadd.f32 v61, v16  }
0x1f7: {  	v63 =	vld [tilespmem:$0x104F0]  }
0x1f8: {  	v16 =	vadd.f32 v17, v16;
	_ =	sdelay $0x1  }
0x1f9: {  	v16 =	vadd.f32 v62, v16;
	_ =	sdelay $0x1  }
0x1fa: {  	s17 =	sadd.s32 $0x1, s17;
	v16 =	vadd.f32 v63, v16  }
0x1fb: {  	p0 =	sne.s32 s17, s8  }
.Ltmp1:
0x1fc: {  	[tilespmem:s19+$0x0] =	vst v16;
	(pc) =	sbr.rel @p0 .LBB2_1-.Ltmp1, $4  }
0x1fd: {  	[hbm4b:s7+s2] =	stream.linear.scatter [tilespmem:s16], [sflag:$0x3], $0x200, $0x38;
	[tilespmem:$0x10700] =	vst v63  }
0x1fe: {  	_ =	swait.ge [sflag:s9], $0x200  }
0x1ff: {  	[sflag:s9] =	ssyncset.done $0x0  }
0x200: {  	[sflag:s9] =	ssyncadd.s32 $0xFFFFFE00  }
0x201: {  	_ =	sfence.sel $0x180000  }
0x202: {  	[bflag:$0x0] =	sbarrier.arrive $0xFFFF  }
0x203: {  	p0 =	sne.s32 s1, $0x0;
	_ =	strace $0x90000047  }
0x204: {  	s0 =	sadd.s32 @!p0 $0x100000, s0;
	[bflag:$0x2] =	sbarrier.arrive $0xFFFF  }
0x205: {  	[sflag:s0] =	ssyncadd.tile.s32 @!p0 $0x1;
	_ =	shalt  }
.Lfunc_end2:
_tile_overlayer_lowered:
.L_overlay_start_2:
0x206: {  	(tag) =	ssettag $0x2  }
0x207: {  	s0 =	rddreg [dreg:$0x0];
	s2 =	stileid.u32  }
0x208: {  	s1 =	rddreg [dreg:$0x1];
	p0 =	sne.s32 s2, $0x0  }
0x209: {  	s3 =	rddreg [dreg:$0x2];
	[bflag:$0x3] =	sbarrier.arrive $0xFFFF;
	s2 =	simm.s32 @!p0 $0x1C03  }
0x20a: {  	[timem:s3], [sflag:s2] =	dma.local @!p0 [hbm:s0], s1  }
0x20b: {  	s0 =	simm.s32 @!p0 $0x3  }
0x20c: {  	_ =	swait.ge @!p0 [sflag:s0], s1  }
0x20d: {  	s1 =	ssub.s32 @!p0 $0x0, s1;
	[sflag:s0] =	ssyncset.done @!p0 $0x0  }
0x20e: {  	[sflag:s0] =	ssyncadd.s32 @!p0 s1  }
0x20f: {  	[bflag:$0x3] =	sbarrier.arrive $0xFFFF  }
0x210: {  	_ =	shalt  }

</sc_bundles>
